<compile_context>
chip_gen: v7x
topology: tpu7x:2x2x1
jax: 0.10.2.dev20260603
libtpu: 0.0.44.dev20260713+nightly
codegen_flags: <defaults>
</compile_context>

<pallas_src>
import functools

import jax
import jax.numpy as jnp
from jax import lax
from jax.experimental import pallas as pl
from jax.experimental.pallas import tpu as pltpu
from jax.experimental.pallas import tpu_sc as plsc

_NC = 2
_NS = 16
_NT = _NC * _NS
_ECH = 7936



def _seg_sum_sc(table_t, packed, n_rows, d):
    e = packed.shape[0]
    unroll = 16
    assert e % _ECH == 0 and _ECH % (16 * unroll) == 0
    n_chunks = e // _ECH
    n_pass = d // _NT
    assert d % _NT == 0

    mesh = plsc.VectorSubcoreMesh(core_axis_name="c", subcore_axis_name="s")

    @functools.partial(
        pl.kernel,
        mesh=mesh,
        out_type=jax.ShapeDtypeStruct((d * n_rows,), jnp.float32),
        scratch_types=[
            pltpu.VMEM((n_rows,), jnp.float32),
            pltpu.VMEM((n_rows,), jnp.float32),
            pltpu.VMEM((2, _ECH), jnp.int32),
            pltpu.SemaphoreType.DMA,
        ],
        compiler_params=pltpu.CompilerParams(needs_layout_passes=False),
    )
    def seg_kernel(table_h, pk_h, out_h, tloc, aloc, pkb, sem):
        c = lax.axis_index("c")
        s = lax.axis_index("s")
        wid = s * _NC + c
        z16 = jnp.zeros((16,), jnp.float32)

        for p in range(n_pass):
            col = wid + _NT * p
            pltpu.sync_copy(table_h.at[pl.ds(col * n_rows, n_rows)], tloc)

            def zbody(i, carry):
                aloc[pl.ds(i * 16, 16)] = z16
                return carry

            lax.fori_loop(0, n_rows // 16, zbody, 0)

            pltpu.async_copy(pk_h.at[pl.ds(0, _ECH)], pkb.at[0], sem)

            def chunk_body(i, carry):
                par = i % 2
                nxt = (i + 1) % 2
                pltpu.make_async_copy(
                    pk_h.at[pl.ds(i * _ECH, _ECH)], pkb.at[par], sem).wait()

                @pl.when(i + 1 < n_chunks)
                def _prefetch():
                    pltpu.async_copy(
                        pk_h.at[pl.ds((i + 1) * _ECH, _ECH)], pkb.at[nxt],
                        sem)

                @plsc.parallel_loop(0, _ECH // 16, unroll=unroll)
                def _edges(g):
                    w = pkb[par, pl.ds(g * 16, 16)]
                    s16 = jnp.bitwise_and(w, 0xFFFF)
                    d16 = lax.shift_right_logical(w, 16)
                    v = plsc.load_gather(tloc, [s16])
                    plsc.addupdate_scatter(aloc, [d16], v)

                return carry

            lax.fori_loop(0, n_chunks, chunk_body, 0)
            pltpu.sync_copy(aloc, out_h.at[pl.ds(col * n_rows, n_rows)])

    return seg_kernel(table_t, packed)



def _deg_sc(dst, n_rows):
    e = dst.shape[0]
    ept = e // _NT
    assert e % _NT == 0 and ept % 16 == 0

    mesh = plsc.VectorSubcoreMesh(core_axis_name="c", subcore_axis_name="s")

    @functools.partial(
        pl.kernel,
        mesh=mesh,
        out_type=jax.ShapeDtypeStruct((_NT * n_rows,), jnp.float32),
        scratch_types=[
            pltpu.VMEM((n_rows,), jnp.float32),
            pltpu.VMEM((ept,), jnp.int32),
            pltpu.SemaphoreType.DMA,
        ],
        compiler_params=pltpu.CompilerParams(needs_layout_passes=False),
    )
    def deg_kernel(dst_h, out_h, degloc, dstb, sem):
        c = lax.axis_index("c")
        s = lax.axis_index("s")
        wid = s * _NC + c
        z16 = jnp.zeros((16,), jnp.float32)
        o16 = jnp.ones((16,), jnp.float32)

        def zbody(i, carry):
            degloc[pl.ds(i * 16, 16)] = z16
            return carry

        lax.fori_loop(0, n_rows // 16, zbody, 0)
        pltpu.sync_copy(dst_h.at[pl.ds(wid * ept, ept)], dstb)

        def ebody(g, carry):
            d16 = dstb[pl.ds(g * 16, 16)]
            plsc.addupdate_scatter(degloc, [d16], o16)
            return carry

        lax.fori_loop(0, ept // 16, ebody, 0)
        pltpu.sync_copy(degloc, out_h.at[pl.ds(wid * n_rows, n_rows)])

    return deg_kernel(dst)



_BN = 1024


def _proj_t(xp_t, w0_t):
    kin, n = xp_t.shape
    dout = w0_t.shape[0]

    def body(w_ref, x_ref, o_ref):
        o_ref[...] = jnp.maximum(
            jnp.dot(w_ref[...], x_ref[...], preferred_element_type=jnp.float32),
            0.0)

    return pl.pallas_call(
        body,
        grid=(n // _BN,),
        in_specs=[
            pl.BlockSpec((dout, kin), lambda i: (0, 0)),
            pl.BlockSpec((kin, _BN), lambda i: (0, i)),
        ],
        out_specs=pl.BlockSpec((dout, _BN), lambda i: (0, i)),
        out_shape=jax.ShapeDtypeStruct((dout, n), jnp.float32),
    )(w0_t, xp_t)


def _norm_table(h0_t, deg_p):
    d, n = h0_t.shape

    def body(h_ref, dp_ref, t_ref, n_ref):
        deg = jnp.sum(dp_ref[...], axis=0)
        norm = lax.rsqrt(jnp.maximum(deg, 1.0))
        n_ref[...] = norm
        t_ref[...] = h_ref[...] * norm

    return pl.pallas_call(
        body,
        grid=(n // _BN,),
        in_specs=[
            pl.BlockSpec((d, _BN), lambda i: (0, i)),
            pl.BlockSpec((_NT, 1, _BN), lambda i: (0, 0, i)),
        ],
        out_specs=[
            pl.BlockSpec((d, _BN), lambda i: (0, i)),
            pl.BlockSpec((1, _BN), lambda i: (0, i)),
        ],
        out_shape=[
            jax.ShapeDtypeStruct((d, n), jnp.float32),
            jax.ShapeDtypeStruct((1, n), jnp.float32),
        ],
    )(h0_t, deg_p)


def _x1_table2(acc1_t, norm):
    d, n = acc1_t.shape

    def body(a_ref, n_ref, x_ref, t_ref):
        x1 = -(a_ref[...] * n_ref[...])
        x_ref[...] = x1
        t_ref[...] = x1 * n_ref[...]

    return pl.pallas_call(
        body,
        grid=(n // _BN,),
        in_specs=[
            pl.BlockSpec((d, _BN), lambda i: (0, i)),
            pl.BlockSpec((1, _BN), lambda i: (0, i)),
        ],
        out_specs=[
            pl.BlockSpec((d, _BN), lambda i: (0, i)),
            pl.BlockSpec((d, _BN), lambda i: (0, i)),
        ],
        out_shape=[
            jax.ShapeDtypeStruct((d, n), jnp.float32),
            jax.ShapeDtypeStruct((d, n), jnp.float32),
        ],
    )(acc1_t, norm)


def _cheb_combine(acc2_t, norm, h0_t, x1_t, cw0_t, cw1_t, cw2_t, cb_col):
    d, n = h0_t.shape

    def body(a_ref, n_ref, h0_ref, x1_ref, w0_ref, w1_ref, w2_ref, b_ref,
             o_ref):
        h0v = h0_ref[...]
        x1v = x1_ref[...]
        x2v = -2.0 * (a_ref[...] * n_ref[...]) - h0v
        acc = jnp.dot(w0_ref[...], h0v, preferred_element_type=jnp.float32)
        acc += jnp.dot(w1_ref[...], x1v, preferred_element_type=jnp.float32)
        acc += jnp.dot(w2_ref[...], x2v, preferred_element_type=jnp.float32)
        o_ref[...] = jnp.maximum(acc + b_ref[...], 0.0)

    return pl.pallas_call(
        body,
        grid=(n // _BN,),
        in_specs=[
            pl.BlockSpec((d, _BN), lambda i: (0, i)),
            pl.BlockSpec((1, _BN), lambda i: (0, i)),
            pl.BlockSpec((d, _BN), lambda i: (0, i)),
            pl.BlockSpec((d, _BN), lambda i: (0, i)),
            pl.BlockSpec((d, d), lambda i: (0, 0)),
            pl.BlockSpec((d, d), lambda i: (0, 0)),
            pl.BlockSpec((d, d), lambda i: (0, 0)),
            pl.BlockSpec((d, 1), lambda i: (0, 0)),
        ],
        out_specs=pl.BlockSpec((d, _BN), lambda i: (0, i)),
        out_shape=jax.ShapeDtypeStruct((d, n), jnp.float32),
    )(acc2_t, norm, h0_t, x1_t, cw0_t, cw1_t, cw2_t, cb_col)


def _mlp_head(hf, w1, b1, g1, bt1, w2, b2, g2, bt2, w3p, b3p, label2):
    bsz = hf.shape[0]
    inv = float((1.0 + 1e-5) ** -0.5)

    def body(h_ref, w1_ref, b1_ref, g1_ref, t1_ref, w2_ref, b2_ref, g2_ref,
             t2_ref, w3_ref, b3_ref, lb_ref, lg_ref, ls_ref):
        h1 = jnp.dot(h_ref[...], w1_ref[...], preferred_element_type=jnp.float32)
        h1 = jnp.maximum((h1 + b1_ref[...]) * inv * g1_ref[...] + t1_ref[...],
                         0.0)
        h2 = jnp.dot(h1, w2_ref[...], preferred_element_type=jnp.float32)
        h2 = jnp.maximum((h2 + b2_ref[...]) * inv * g2_ref[...] + t2_ref[...],
                         0.0)
        lg = jnp.dot(h2, w3_ref[...], preferred_element_type=jnp.float32)
        lg = lg + b3_ref[...]
        col = lax.broadcasted_iota(jnp.int32, lg.shape, 1)
        valid = col < 3
        lgm = jnp.where(valid, lg, -1e30)
        m = jnp.max(lgm, axis=1, keepdims=True)
        e = jnp.where(valid, jnp.exp(lg - m), 0.0)
        lse = jnp.log(jnp.sum(e, axis=1, keepdims=True))
        logp = lg - m - lse
        oh = jnp.logical_and(col == lb_ref[...], valid)
        picked = jnp.sum(jnp.where(oh, logp, 0.0), axis=1, keepdims=True)
        lg_ref[...] = lg
        ls_ref[...] = jnp.reshape(-jnp.mean(picked), (1, 1))

    return pl.pallas_call(
        body,
        out_shape=[
            jax.ShapeDtypeStruct((bsz, 128), jnp.float32),
            jax.ShapeDtypeStruct((1, 1), jnp.float32),
        ],
    )(hf, w1, b1, g1, bt1, w2, b2, g2, bt2, w3p, b3p, label2)



def kernel(x, edge_index, label, W0, cheb_W, cheb_b, W1, b1, g1, bt1,
           W2, b2, g2, bt2, W3, b3):
    n, in_dim = x.shape
    hid = W0.shape[1]
    bsz = label.shape[0]

    src = edge_index[0]
    dst = edge_index[1]
    assert n <= 65536
    packed = src | (dst << 16)

    xp_t = jnp.pad(x, ((0, 0), (0, 8 - in_dim))).T
    w0_t = jnp.pad(W0, ((0, 8 - in_dim), (0, 0))).T
    h0_t = _proj_t(xp_t, w0_t)

    deg_p = _deg_sc(dst, n).reshape(_NT, 1, n)
    table1_t, norm = _norm_table(h0_t, deg_p)

    acc1_t = _seg_sum_sc(table1_t.reshape(-1), packed, n, hid)
    x1_t, table2_t = _x1_table2(acc1_t.reshape(hid, n), norm)
    acc2_t = _seg_sum_sc(table2_t.reshape(-1), packed, n, hid)

    cw0_t = cheb_W[0 * hid:1 * hid].T
    cw1_t = cheb_W[1 * hid:2 * hid].T
    cw2_t = cheb_W[2 * hid:3 * hid].T
    h_t = _cheb_combine(acc2_t.reshape(hid, n), norm, h0_t, x1_t,
                        cw0_t, cw1_t, cw2_t, cheb_b[:, None])

    hf = h_t.T.reshape(bsz, -1)
    w3p = jnp.pad(W3, ((0, 0), (0, 128 - W3.shape[1])))
    b3p = jnp.pad(b3, (0, 128 - b3.shape[0]))[None, :]
    logits_pad, loss = _mlp_head(
        hf, W1, b1[None, :], g1[None, :], bt1[None, :],
        W2, b2[None, :], g2[None, :], bt2[None, :],
        w3p, b3p, label[:, None].astype(jnp.int32))

    return (logits_pad[:, :W3.shape[1]], loss[0, 0])

# --- scband reference (transcript-rebuilt; emitter-appended) ---
"""Pipeline reference for scband-supervised-train-model-14164802142210 (READ-ONLY COPY).

The authoritative reference and input builder live on the scoring server;
editing this copy changes nothing except your own understanding.
"""

import jax, jax.numpy as jnp
import numpy as np

B = 512
NPG = 62
N = B * NPG
IN_DIM = 5
HID = 64
K = 3
NUM_CLASS = 3
LH = 1024
EPS = 1e-5


def setup_inputs(seed: int = 0):
    key = jax.random.key(seed)
    ks = jax.random.split(key, 16)
    E = N * 32
    s = 0.05
    x = jax.random.normal(ks[0], (N, IN_DIM), dtype=jnp.float32)
    edge_index = jax.random.randint(ks[1], (2, E), 0, N, dtype=jnp.int32)
    label = jax.random.randint(ks[2], (B,), 0, NUM_CLASS, dtype=jnp.int32)
    W0 = jax.random.normal(ks[3], (IN_DIM, HID), dtype=jnp.float32) * s
    cheb_W = jax.random.normal(ks[4], (K * HID, HID), dtype=jnp.float32) * s
    cheb_b = jnp.zeros((HID,), jnp.float32)
    W1 = jax.random.normal(ks[5], (NPG * HID, LH), dtype=jnp.float32) * s
    b1 = jnp.zeros((LH,), jnp.float32)
    g1 = jnp.ones((LH,), jnp.float32)
    bt1 = jnp.zeros((LH,), jnp.float32)
    W2 = jax.random.normal(ks[6], (LH, LH // 2), dtype=jnp.float32) * s
    b2 = jnp.zeros((LH // 2,), jnp.float32)
    g2 = jnp.ones((LH // 2,), jnp.float32)
    bt2 = jnp.zeros((LH // 2,), jnp.float32)
    W3 = jax.random.normal(ks[7], (LH // 2, NUM_CLASS), dtype=jnp.float32) * s
    b3 = jnp.zeros((NUM_CLASS,), jnp.float32)
    return dict(x=x, edge_index=edge_index, label=label, W0=W0, cheb_W=cheb_W,
                cheb_b=cheb_b, W1=W1, b1=b1, g1=g1, bt1=bt1, W2=W2, b2=b2,
                g2=g2, bt2=bt2, W3=W3, b3=b3)


def _cheb(h, src, dst, W, b):
    # DGL ChebConv with lambda_max=2 per graph -> re_norm = 2/lambda_max = 1 everywhere
    deg = jnp.zeros((N,), h.dtype).at[dst].add(1.0)
    norm = jnp.power(jnp.maximum(deg, 1.0), -0.5)[:, None]
    Xt = [h]
    agg = jax.ops.segment_sum((h * norm)[src], dst, num_segments=N) * norm
    # X_1 = -re_norm*agg + (re_norm-1)*X_0 = -agg
    Xt.append(-agg)
    for _ in range(2, K):
        agg = jax.ops.segment_sum((Xt[-1] * norm)[src], dst, num_segments=N) * norm
        # X_i = -2*re_norm*agg + 2*(re_norm-1)*X_{i-1} - X_{i-2} = -2*agg - X_{i-2}
        Xt.append(-2.0 * agg - Xt[-2])
    return jnp.concatenate(Xt, axis=1) @ W + b


def _bn_eval(h, g, b):
    # eval-mode BatchNorm1d with fresh running stats (mean=0, var=1)
    return h / jnp.sqrt(1.0 + EPS) * g + b


def reference(x, edge_index, label, W0, cheb_W, cheb_b, W1, b1, g1, bt1,
              W2, b2, g2, bt2, W3, b3):
    src, dst = edge_index[0], edge_index[1]
    h = jax.nn.relu(x @ W0)
    h = jax.nn.relu(_cheb(h, src, dst, cheb_W, cheb_b))
    h = h.reshape(B, -1)
    h = jax.nn.relu(_bn_eval(h @ W1 + b1, g1, bt1))
    h = jax.nn.relu(_bn_eval(h @ W2 + b2, g2, bt2))
    logits = h @ W3 + b3
    logp = jax.nn.log_softmax(logits, axis=-1)
    loss = -jnp.mean(jnp.take_along_axis(logp, label[:, None].astype(jnp.int32), axis=1))
    return (logits, loss)

if __name__ == "__main__":
    import jax
    _d = setup_inputs()
    print(jax.jit(kernel)(*tuple(_d.values())))

</pallas_src>

<mosaic_0001>
#map = affine_map<(d0, d1) -> (0)>
module attributes {stable_mosaic.version = 14 : i64} {
  func.func @deg_kernel(%arg0: i32, %arg1: i32, %arg2: memref<1015808xi32, #tpu.memory_space<hbm>>, %arg3: memref<1015808xf32, #tpu.memory_space<hbm>>, %arg4: memref<31744xf32, #tpu.memory_space<vmem>>, %arg5: memref<31744xi32, #tpu.memory_space<vmem>>, %arg6: memref<!tpu.dma_semaphore, #tpu.memory_space<semaphore_mem>>) attributes {dimension_semantics = [#tpu.dimension_semantics<core_parallel>, #tpu.dimension_semantics<subcore_parallel>], iteration_bounds = array<i64: 2, 16>, scalar_prefetch = 0 : i64, scratch_operands = 3 : i64, tpu.core_type = #tpu.core_type<sc_vector_subcore>, window_params = [{transform_indices = #map}, {transform_indices = #map}]} {
    %mul3A = arith.constant 2 : i32
    %mul3A_0 = arith.muli %arg1, %mul3A : i32
    %add3A = arith.addi %mul3A_0, %arg0 : i32
    %broadcast_in_dim3A = arith.constant 0.000000e+00 : f32
    %broadcast_in_dim3A_1 = vector.broadcast %broadcast_in_dim3A : f32 to vector<16xf32>
    %broadcast_in_dim3A_2 = arith.constant 1.000000e+00 : f32
    %broadcast_in_dim3A_3 = vector.broadcast %broadcast_in_dim3A_2 : f32 to vector<16xf32>
    %scan3A = arith.constant 0 : i32
    %scan3A_4 = arith.constant 0 : i32
    %scan3A_5 = arith.constant 1984 : i32
    %scan3A_6 = arith.addi %scan3A_4, %scan3A_5 : i32
    %scan3A_7 = arith.constant 1 : i32
    scf.for %scan3A_19 = %scan3A_4 to %scan3A_6 step %scan3A_7  : i32 {
      %mul3A_20 = arith.constant 16 : i32
      %mul3A_21 = arith.muli %scan3A_19, %mul3A_20 : i32
      %swap3A = arith.index_cast %mul3A_21 : i32 to index
      %swap3A_22 = tpu.vector_load %arg4[%swap3A] {strides = array<i32>} : memref<31744xf32, #tpu.memory_space<vmem>>, vector<16xf32>,
      tpu.vector_store %arg4[%swap3A], %broadcast_in_dim3A_1 {strides = array<i32>} : memref<31744xf32, #tpu.memory_space<vmem>>, vector<16xf32>,
    }
    %scan3A_8 = arith.constant 1984 : i32
    %mul3A_9 = arith.constant 31744 : i32
    %mul3A_10 = arith.muli %add3A, %mul3A_9 : i32
    "tpu.region"() ({
      %run_scoped3A = tpu.sem_alloc : memref<!tpu.dma_semaphore, #tpu.memory_space<semaphore_mem>>
      %dma_start3A = tpu.memref_slice %arg2[%mul3A_10] : memref<1015808xi32, #tpu.memory_space<hbm>> -> memref<31744xi32, #tpu.memory_space<hbm>>
      %dma_start3A_19 = tpu.memref_slice %arg2[%mul3A_10] : memref<1015808xi32, #tpu.memory_space<hbm>> -> memref<31744xi32, #tpu.memory_space<hbm>>
      tpu.enqueue_dma source(%dma_start3A_19 : memref<31744xi32, #tpu.memory_space<hbm>>) target(%arg5 : memref<31744xi32, #tpu.memory_space<vmem>>) target_semaphore(%run_scoped3A : memref<!tpu.dma_semaphore, #tpu.memory_space<semaphore_mem>>)
      %dma_wait3A = tpu.memref_slice %arg2[%mul3A_10] : memref<1015808xi32, #tpu.memory_space<hbm>> -> memref<31744xi32, #tpu.memory_space<hbm>>
      %dma_wait3A_20 = tpu.memref_slice %arg2[%mul3A_10] : memref<1015808xi32, #tpu.memory_space<hbm>> -> memref<31744xi32, #tpu.memory_space<hbm>>
      tpu.wait_dma2 semaphore(%run_scoped3A : memref<!tpu.dma_semaphore, #tpu.memory_space<semaphore_mem>>) src(%dma_wait3A_20 : memref<31744xi32, #tpu.memory_space<hbm>>) dst(%arg5 : memref<31744xi32, #tpu.memory_space<vmem>>)
      tpu.yield
    }) : () -> ()
    %scan3A_11 = arith.constant 0 : i32
    %scan3A_12 = arith.constant 0 : i32
    %scan3A_13 = arith.constant 1984 : i32
    %scan3A_14 = arith.addi %scan3A_12, %scan3A_13 : i32
    %scan3A_15 = arith.constant 1 : i32
    scf.for %scan3A_19 = %scan3A_12 to %scan3A_14 step %scan3A_15  : i32 {
      %mul3A_20 = arith.constant 16 : i32
      %mul3A_21 = arith.muli %scan3A_19, %mul3A_20 : i32
      %get3A = arith.index_cast %mul3A_21 : i32 to index
      %get3A_22 = tpu.vector_load %arg5[%get3A] {strides = array<i32>} : memref<31744xi32, #tpu.memory_space<vmem>>, vector<16xi32>,
      tpu.vector_store_idx %arg4[%get3A_22], %broadcast_in_dim3A_3 {add = true} : memref<31744xf32, #tpu.memory_space<vmem>>[vector<16xi32>], vector<16xf32>,
    }
    %scan3A_16 = arith.constant 1984 : i32
    %mul3A_17 = arith.constant 31744 : i32
    %mul3A_18 = arith.muli %add3A, %mul3A_17 : i32
    "tpu.region"() ({
      %run_scoped3A = tpu.sem_alloc : memref<!tpu.dma_semaphore, #tpu.memory_space<semaphore_mem>>
      %dma_start3A = tpu.memref_slice %arg3[%mul3A_18] : memref<1015808xf32, #tpu.memory_space<hbm>> -> memref<31744xf32, #tpu.memory_space<hbm>>
      %dma_start3A_19 = tpu.memref_slice %arg3[%mul3A_18] : memref<1015808xf32, #tpu.memory_space<hbm>> -> memref<31744xf32, #tpu.memory_space<hbm>>
      tpu.enqueue_dma source(%arg4 : memref<31744xf32, #tpu.memory_space<vmem>>) target(%dma_start3A_19 : memref<31744xf32, #tpu.memory_space<hbm>>) target_semaphore(%run_scoped3A : memref<!tpu.dma_semaphore, #tpu.memory_space<semaphore_mem>>)
      %dma_wait3A = tpu.memref_slice %arg3[%mul3A_18] : memref<1015808xf32, #tpu.memory_space<hbm>> -> memref<31744xf32, #tpu.memory_space<hbm>>
      %dma_wait3A_20 = tpu.memref_slice %arg3[%mul3A_18] : memref<1015808xf32, #tpu.memory_space<hbm>> -> memref<31744xf32, #tpu.memory_space<hbm>>
      tpu.wait_dma2 semaphore(%run_scoped3A : memref<!tpu.dma_semaphore, #tpu.memory_space<semaphore_mem>>) src(%arg4 : memref<31744xf32, #tpu.memory_space<vmem>>) dst(%dma_wait3A_20 : memref<31744xf32, #tpu.memory_space<hbm>>)
      tpu.yield
    }) : () -> ()
    return
  }
}

#map = affine_map<(d0, d1) -> (0)>
module attributes {stable_mosaic.version = 14 : i64} {
  func.func @seg_kernel(%arg0: i32, %arg1: i32, %arg2: memref<2031616xf32, #tpu.memory_space<hbm>>, %arg3: memref<1015808xi32, #tpu.memory_space<hbm>>, %arg4: memref<2031616xf32, #tpu.memory_space<hbm>>, %arg5: memref<31744xf32, #tpu.memory_space<vmem>>, %arg6: memref<31744xf32, #tpu.memory_space<vmem>>, %arg7: memref<2x7936xi32, #tpu.memory_space<vmem>>, %arg8: memref<!tpu.dma_semaphore, #tpu.memory_space<semaphore_mem>>) attributes {dimension_semantics = [#tpu.dimension_semantics<core_parallel>, #tpu.dimension_semantics<subcore_parallel>], iteration_bounds = array<i64: 2, 16>, scalar_prefetch = 0 : i64, scratch_operands = 4 : i64, tpu.core_type = #tpu.core_type<sc_vector_subcore>, window_params = [{transform_indices = #map}, {transform_indices = #map}, {transform_indices = #map}]} {
    %mul3A = arith.constant 2 : i32
    %mul3A_0 = arith.muli %arg1, %mul3A : i32
    %add3A = arith.addi %mul3A_0, %arg0 : i32
    %broadcast_in_dim3A = arith.constant 0.000000e+00 : f32
    %broadcast_in_dim3A_1 = vector.broadcast %broadcast_in_dim3A : f32 to vector<16xf32>
    %add3A_2 = arith.constant 0 : i32
    %add3A_3 = arith.addi %add3A, %add3A_2 : i32
    %mul3A_4 = arith.constant 31744 : i32
    %mul3A_5 = arith.muli %add3A_3, %mul3A_4 : i32
    "tpu.region"() ({
      %run_scoped3A = tpu.sem_alloc : memref<!tpu.dma_semaphore, #tpu.memory_space<semaphore_mem>>
      %dma_start3A_58 = tpu.memref_slice %arg2[%mul3A_5] : memref<2031616xf32, #tpu.memory_space<hbm>> -> memref<31744xf32, #tpu.memory_space<hbm>>
      %dma_start3A_59 = tpu.memref_slice %arg2[%mul3A_5] : memref<2031616xf32, #tpu.memory_space<hbm>> -> memref<31744xf32, #tpu.memory_space<hbm>>
      tpu.enqueue_dma source(%dma_start3A_59 : memref<31744xf32, #tpu.memory_space<hbm>>) target(%arg5 : memref<31744xf32, #tpu.memory_space<vmem>>) target_semaphore(%run_scoped3A : memref<!tpu.dma_semaphore, #tpu.memory_space<semaphore_mem>>)
      %dma_wait3A = tpu.memref_slice %arg2[%mul3A_5] : memref<2031616xf32, #tpu.memory_space<hbm>> -> memref<31744xf32, #tpu.memory_space<hbm>>
      %dma_wait3A_60 = tpu.memref_slice %arg2[%mul3A_5] : memref<2031616xf32, #tpu.memory_space<hbm>> -> memref<31744xf32, #tpu.memory_space<hbm>>
      tpu.wait_dma2 semaphore(%run_scoped3A : memref<!tpu.dma_semaphore, #tpu.memory_space<semaphore_mem>>) src(%dma_wait3A_60 : memref<31744xf32, #tpu.memory_space<hbm>>) dst(%arg5 : memref<31744xf32, #tpu.memory_space<vmem>>)
      tpu.yield
    }) : () -> ()
    %scan3A = arith.constant 0 : i32
    %scan3A_6 = arith.constant 0 : i32
    %scan3A_7 = arith.constant 1984 : i32
    %scan3A_8 = arith.addi %scan3A_6, %scan3A_7 : i32
    %scan3A_9 = arith.constant 1 : i32
    scf.for %scan3A_58 = %scan3A_6 to %scan3A_8 step %scan3A_9  : i32 {
      %mul3A_59 = arith.constant 16 : i32
      %mul3A_60 = arith.muli %scan3A_58, %mul3A_59 : i32
      %swap3A = arith.index_cast %mul3A_60 : i32 to index
      %swap3A_61 = tpu.vector_load %arg6[%swap3A] {strides = array<i32>} : memref<31744xf32, #tpu.memory_space<vmem>>, vector<16xf32>,
      tpu.vector_store %arg6[%swap3A], %broadcast_in_dim3A_1 {strides = array<i32>} : memref<31744xf32, #tpu.memory_space<vmem>>, vector<16xf32>,
    }
    %scan3A_10 = arith.constant 1984 : i32
    %dma_start3A = arith.constant 0 : i32
    %dma_start3A_11 = arith.constant 0 : i32
    %dma_start3A_12 = tpu.memref_slice %arg7[%dma_start3A, %dma_start3A_11] : memref<2x7936xi32, #tpu.memory_space<vmem>> -> memref<1x7936xi32, #tpu.memory_space<vmem>>
    %dma_start3A_13 = tpu.memref_squeeze %dma_start3A_12 : memref<1x7936xi32, #tpu.memory_space<vmem>> -> memref<7936xi32, #tpu.memory_space<vmem>>
    %dma_start3A_14 = arith.constant 0 : i32
    %dma_start3A_15 = tpu.memref_slice %arg3[%dma_start3A_14] : memref<1015808xi32, #tpu.memory_space<hbm>> -> memref<7936xi32, #tpu.memory_space<hbm>>
    %dma_start3A_16 = arith.constant 0 : i32
    %dma_start3A_17 = tpu.memref_slice %arg7[%dma_start3A, %dma_start3A_16] : memref<2x7936xi32, #tpu.memory_space<vmem>> -> memref<1x7936xi32, #tpu.memory_space<vmem>>
    %dma_start3A_18 = tpu.memref_squeeze %dma_start3A_17 : memref<1x7936xi32, #tpu.memory_space<vmem>> -> memref<7936xi32, #tpu.memory_space<vmem>>
    %dma_start3A_19 = arith.constant 0 : i32
    %dma_start3A_20 = tpu.memref_slice %arg3[%dma_start3A_19] : memref<1015808xi32, #tpu.memory_space<hbm>> -> memref<7936xi32, #tpu.memory_space<hbm>>
    tpu.enqueue_dma source(%dma_start3A_20 : memref<7936xi32, #tpu.memory_space<hbm>>) target(%dma_start3A_18 : memref<7936xi32, #tpu.memory_space<vmem>>) target_semaphore(%arg8 : memref<!tpu.dma_semaphore, #tpu.memory_space<semaphore_mem>>)
    %scan3A_21 = arith.constant 0 : i32
    %scan3A_22 = arith.constant 0 : i32
    %scan3A_23 = arith.constant 128 : i32
    %scan3A_24 = arith.addi %scan3A_22, %scan3A_23 : i32
    %scan3A_25 = arith.constant 1 : i32
    scf.for %scan3A_58 = %scan3A_22 to %scan3A_24 step %scan3A_25  : i32 {
      %jit3A = arith.constant 2 : i32
      %eq3A = arith.constant 0 : i32
      %eq3A_59 = arith.cmpi eq, %jit3A, %eq3A : i32
      %jit3A_60 = arith.constant 1 : i32
      %select_n3A = arith.select %eq3A_59, %jit3A_60, %jit3A : i32
      %rem3A = arith.remsi %scan3A_58, %select_n3A : i32
      %ne3A = arith.constant 0 : i32
      %ne3A_61 = arith.cmpi ne, %rem3A, %ne3A : i32
      %lt3A = arith.constant 0 : i32
      %lt3A_62 = arith.cmpi slt, %rem3A, %lt3A : i32
      %lt3A_63 = arith.constant 0 : i32
      %lt3A_64 = arith.cmpi slt, %select_n3A, %lt3A_63 : i32
      %ne3A_65 = arith.xori %lt3A_62, %lt3A_64 : i1
      %and3A = arith.andi %ne3A_65, %ne3A_61 : i1
      %add3A_66 = arith.addi %rem3A, %select_n3A : i32
      %select_n3A_67 = arith.select %and3A, %add3A_66, %rem3A : i32
      %add3A_68 = arith.constant 1 : i32
      %add3A_69 = arith.addi %scan3A_58, %add3A_68 : i32
      %jit3A_70 = arith.constant 2 : i32
      %eq3A_71 = arith.constant 0 : i32
      %eq3A_72 = arith.cmpi eq, %jit3A_70, %eq3A_71 : i32
      %jit3A_73 = arith.constant 1 : i32
      %select_n3A_74 = arith.select %eq3A_72, %jit3A_73, %jit3A_70 : i32
      %rem3A_75 = arith.remsi %add3A_69, %select_n3A_74 : i32
      %ne3A_76 = arith.constant 0 : i32
      %ne3A_77 = arith.cmpi ne, %rem3A_75, %ne3A_76 : i32
      %lt3A_78 = arith.constant 0 : i32
      %lt3A_79 = arith.cmpi slt, %rem3A_75, %lt3A_78 : i32
      %lt3A_80 = arith.constant 0 : i32
      %lt3A_81 = arith.cmpi slt, %select_n3A_74, %lt3A_80 : i32
      %ne3A_82 = arith.xori %lt3A_79, %lt3A_81 : i1
      %and3A_83 = arith.andi %ne3A_82, %ne3A_77 : i1
      %add3A_84 = arith.addi %rem3A_75, %select_n3A_74 : i32
      %select_n3A_85 = arith.select %and3A_83, %add3A_84, %rem3A_75 : i32
      %mul3A_86 = arith.constant 7936 : i32
      %mul3A_87 = arith.muli %scan3A_58, %mul3A_86 : i32
      %dma_wait3A = arith.constant 0 : i32
      %dma_wait3A_88 = tpu.memref_slice %arg7[%select_n3A_67, %dma_wait3A] : memref<2x7936xi32, #tpu.memory_space<vmem>> -> memref<1x7936xi32, #tpu.memory_space<vmem>>
      %dma_wait3A_89 = tpu.memref_squeeze %dma_wait3A_88 : memref<1x7936xi32, #tpu.memory_space<vmem>> -> memref<7936xi32, #tpu.memory_space<vmem>>
      %dma_wait3A_90 = tpu.memref_slice %arg3[%mul3A_87] : memref<1015808xi32, #tpu.memory_space<hbm>> -> memref<7936xi32, #tpu.memory_space<hbm>>
      %dma_wait3A_91 = arith.constant 0 : i32
      %dma_wait3A_92 = tpu.memref_slice %arg7[%select_n3A_67, %dma_wait3A_91] : memref<2x7936xi32, #tpu.memory_space<vmem>> -> memref<1x7936xi32, #tpu.memory_space<vmem>>
      %dma_wait3A_93 = tpu.memref_squeeze %dma_wait3A_92 : memref<1x7936xi32, #tpu.memory_space<vmem>> -> memref<7936xi32, #tpu.memory_space<vmem>>
      %dma_wait3A_94 = tpu.memref_slice %arg3[%mul3A_87] : memref<1015808xi32, #tpu.memory_space<hbm>> -> memref<7936xi32, #tpu.memory_space<hbm>>
      tpu.wait_dma2 semaphore(%arg8 : memref<!tpu.dma_semaphore, #tpu.memory_space<semaphore_mem>>) src(%dma_wait3A_94 : memref<7936xi32, #tpu.memory_space<hbm>>) dst(%dma_wait3A_93 : memref<7936xi32, #tpu.memory_space<vmem>>)
      %add3A_95 = arith.constant 1 : i32
      %add3A_96 = arith.addi %scan3A_58, %add3A_95 : i32
      %lt3A_97 = arith.constant 128 : i32
      %lt3A_98 = arith.cmpi slt, %add3A_96, %lt3A_97 : i32
      %convert_element_type3A = arith.extui %lt3A_98 : i1 to i32
      %cond3A = arith.constant 0 : i32
      %cond3A_99 = arith.cmpi ne, %convert_element_type3A, %cond3A : i32
      scf.if %cond3A_99 {
        %add3A_102 = arith.constant 1 : i32
        %add3A_103 = arith.addi %scan3A_58, %add3A_102 : i32
        %mul3A_104 = arith.constant 7936 : i32
        %mul3A_105 = arith.muli %add3A_103, %mul3A_104 : i32
        %dma_start3A_106 = arith.constant 0 : i32
        %dma_start3A_107 = tpu.memref_slice %arg7[%select_n3A_85, %dma_start3A_106] : memref<2x7936xi32, #tpu.memory_space<vmem>> -> memref<1x7936xi32, #tpu.memory_space<vmem>>
        %dma_start3A_108 = tpu.memref_squeeze %dma_start3A_107 : memref<1x7936xi32, #tpu.memory_space<vmem>> -> memref<7936xi32, #tpu.memory_space<vmem>>
        %dma_start3A_109 = tpu.memref_slice %arg3[%mul3A_105] : memref<1015808xi32, #tpu.memory_space<hbm>> -> memref<7936xi32, #tpu.memory_space<hbm>>
        %dma_start3A_110 = arith.constant 0 : i32
        %dma_start3A_111 = tpu.memref_slice %arg7[%select_n3A_85, %dma_start3A_110] : memref<2x7936xi32, #tpu.memory_space<vmem>> -> memref<1x7936xi32, #tpu.memory_space<vmem>>
        %dma_start3A_112 = tpu.memref_squeeze %dma_start3A_111 : memref<1x7936xi32, #tpu.memory_space<vmem>> -> memref<7936xi32, #tpu.memory_space<vmem>>
        %dma_start3A_113 = tpu.memref_slice %arg3[%mul3A_105] : memref<1015808xi32, #tpu.memory_space<hbm>> -> memref<7936xi32, #tpu.memory_space<hbm>>
        tpu.enqueue_dma source(%dma_start3A_113 : memref<7936xi32, #tpu.memory_space<hbm>>) target(%dma_start3A_112 : memref<7936xi32, #tpu.memory_space<vmem>>) target_semaphore(%arg8 : memref<!tpu.dma_semaphore, #tpu.memory_space<semaphore_mem>>)
      } else {
      }
      %parallel_loop3A = arith.constant 0 : i32
      %parallel_loop3A_100 = arith.constant 496 : i32
      %parallel_loop3A_101 = arith.constant 1 : i32
      scf.for %parallel_loop3A_102 = %parallel_loop3A to %parallel_loop3A_100 step %parallel_loop3A_101  : i32 {
        %parallel_loop3A_103 = arith.constant 16 : i32
        %parallel_loop3A_104 = arith.muli %parallel_loop3A_102, %parallel_loop3A_103 : i32
        %parallel_loop3A_105 = arith.index_cast %select_n3A_67 : i32 to index
        %parallel_loop3A_106 = arith.index_cast %parallel_loop3A_104 : i32 to index
        %parallel_loop3A_107 = tpu.vector_load %arg7[%parallel_loop3A_105, %parallel_loop3A_106] {strides = array<i32>} : memref<2x7936xi32, #tpu.memory_space<vmem>>, vector<16xi32>,
        %parallel_loop3A_108 = arith.constant 65535 : i32
        %parallel_loop3A_109 = vector.broadcast %parallel_loop3A_108 : i32 to vector<16xi32>
        %parallel_loop3A_110 = arith.andi %parallel_loop3A_107, %parallel_loop3A_109 : vector<16xi32>
        %parallel_loop3A_111 = arith.constant 16 : i32
        %parallel_loop3A_112 = vector.broadcast %parallel_loop3A_111 : i32 to vector<16xi32>
        %parallel_loop3A_113 = arith.shrui %parallel_loop3A_107, %parallel_loop3A_112 : vector<16xi32>
        %parallel_loop3A_114 = tpu.vector_load_idx %arg5[%parallel_loop3A_110] : memref<31744xf32, #tpu.memory_space<vmem>>[vector<16xi32>], vector<16xf32>,
        tpu.vector_store_idx %arg6[%parallel_loop3A_113], %parallel_loop3A_114 {add = true} : memref<31744xf32, #tpu.memory_space<vmem>>[vector<16xi32>], vector<16xf32>,
      } {sc.loop_unroll_factor = 16 : i64, sc.parallel_access}
    }
    %scan3A_26 = arith.constant 128 : i32
    %mul3A_27 = arith.constant 31744 : i32
    %mul3A_28 = arith.muli %add3A_3, %mul3A_27 : i32
    "tpu.region"() ({
      %run_scoped3A = tpu.sem_alloc : memref<!tpu.dma_semaphore, #tpu.memory_space<semaphore_mem>>
      %dma_start3A_58 = tpu.memref_slice %arg4[%mul3A_28] : memref<2031616xf32, #tpu.memory_space<hbm>> -> memref<31744xf32, #tpu.memory_space<hbm>>
      %dma_start3A_59 = tpu.memref_slice %arg4[%mul3A_28] : memref<2031616xf32, #tpu.memory_space<hbm>> -> memref<31744xf32, #tpu.memory_space<hbm>>
      tpu.enqueue_dma source(%arg6 : memref<31744xf32, #tpu.memory_space<vmem>>) target(%dma_start3A_59 : memref<31744xf32, #tpu.memory_space<hbm>>) target_semaphore(%run_scoped3A : memref<!tpu.dma_semaphore, #tpu.memory_space<semaphore_mem>>)
      %dma_wait3A = tpu.memref_slice %arg4[%mul3A_28] : memref<2031616xf32, #tpu.memory_space<hbm>> -> memref<31744xf32, #tpu.memory_space<hbm>>
      %dma_wait3A_60 = tpu.memref_slice %arg4[%mul3A_28] : memref<2031616xf32, #tpu.memory_space<hbm>> -> memref<31744xf32, #tpu.memory_space<hbm>>
      tpu.wait_dma2 semaphore(%run_scoped3A : memref<!tpu.dma_semaphore, #tpu.memory_space<semaphore_mem>>) src(%arg6 : memref<31744xf32, #tpu.memory_space<vmem>>) dst(%dma_wait3A_60 : memref<31744xf32, #tpu.memory_space<hbm>>)
      tpu.yield
    }) : () -> ()
    %add3A_29 = arith.constant 32 : i32
    %add3A_30 = arith.addi %add3A, %add3A_29 : i32
    %mul3A_31 = arith.constant 31744 : i32
    %mul3A_32 = arith.muli %add3A_30, %mul3A_31 : i32
    "tpu.region"() ({
      %run_scoped3A = tpu.sem_alloc : memref<!tpu.dma_semaphore, #tpu.memory_space<semaphore_mem>>
      %dma_start3A_58 = tpu.memref_slice %arg2[%mul3A_32] : memref<2031616xf32, #tpu.memory_space<hbm>> -> memref<31744xf32, #tpu.memory_space<hbm>>
      %dma_start3A_59 = tpu.memref_slice %arg2[%mul3A_32] : memref<2031616xf32, #tpu.memory_space<hbm>> -> memref<31744xf32, #tpu.memory_space<hbm>>
      tpu.enqueue_dma source(%dma_start3A_59 : memref<31744xf32, #tpu.memory_space<hbm>>) target(%arg5 : memref<31744xf32, #tpu.memory_space<vmem>>) target_semaphore(%run_scoped3A : memref<!tpu.dma_semaphore, #tpu.memory_space<semaphore_mem>>)
      %dma_wait3A = tpu.memref_slice %arg2[%mul3A_32] : memref<2031616xf32, #tpu.memory_space<hbm>> -> memref<31744xf32, #tpu.memory_space<hbm>>
      %dma_wait3A_60 = tpu.memref_slice %arg2[%mul3A_32] : memref<2031616xf32, #tpu.memory_space<hbm>> -> memref<31744xf32, #tpu.memory_space<hbm>>
      tpu.wait_dma2 semaphore(%run_scoped3A : memref<!tpu.dma_semaphore, #tpu.memory_space<semaphore_mem>>) src(%dma_wait3A_60 : memref<31744xf32, #tpu.memory_space<hbm>>) dst(%arg5 : memref<31744xf32, #tpu.memory_space<vmem>>)
      tpu.yield
    }) : () -> ()
    %scan3A_33 = arith.constant 0 : i32
    %scan3A_34 = arith.constant 0 : i32
    %scan3A_35 = arith.constant 1984 : i32
    %scan3A_36 = arith.addi %scan3A_34, %scan3A_35 : i32
    %scan3A_37 = arith.constant 1 : i32
    scf.for %scan3A_58 = %scan3A_34 to %scan3A_36 step %scan3A_37  : i32 {
      %mul3A_59 = arith.constant 16 : i32
      %mul3A_60 = arith.muli %scan3A_58, %mul3A_59 : i32
      %swap3A = arith.index_cast %mul3A_60 : i32 to index
      %swap3A_61 = tpu.vector_load %arg6[%swap3A] {strides = array<i32>} : memref<31744xf32, #tpu.memory_space<vmem>>, vector<16xf32>,
      tpu.vector_store %arg6[%swap3A], %broadcast_in_dim3A_1 {strides = array<i32>} : memref<31744xf32, #tpu.memory_space<vmem>>, vector<16xf32>,
    }
    %scan3A_38 = arith.constant 1984 : i32
    %dma_start3A_39 = arith.constant 0 : i32
    %dma_start3A_40 = arith.constant 0 : i32
    %dma_start3A_41 = tpu.memref_slice %arg7[%dma_start3A_39, %dma_start3A_40] : memref<2x7936xi32, #tpu.memory_space<vmem>> -> memref<1x7936xi32, #tpu.memory_space<vmem>>
    %dma_start3A_42 = tpu.memref_squeeze %dma_start3A_41 : memref<1x7936xi32, #tpu.memory_space<vmem>> -> memref<7936xi32, #tpu.memory_space<vmem>>
    %dma_start3A_43 = arith.constant 0 : i32
    %dma_start3A_44 = tpu.memref_slice %arg3[%dma_start3A_43] : memref<1015808xi32, #tpu.memory_space<hbm>> -> memref<7936xi32, #tpu.memory_space<hbm>>
    %dma_start3A_45 = arith.constant 0 : i32
    %dma_start3A_46 = tpu.memref_slice %arg7[%dma_start3A_39, %dma_start3A_45] : memref<2x7936xi32, #tpu.memory_space<vmem>> -> memref<1x7936xi32, #tpu.memory_space<vmem>>
    %dma_start3A_47 = tpu.memref_squeeze %dma_start3A_46 : memref<1x7936xi32, #tpu.memory_space<vmem>> -> memref<7936xi32, #tpu.memory_space<vmem>>
    %dma_start3A_48 = arith.constant 0 : i32
    %dma_start3A_49 = tpu.memref_slice %arg3[%dma_start3A_48] : memref<1015808xi32, #tpu.memory_space<hbm>> -> memref<7936xi32, #tpu.memory_space<hbm>>
    tpu.enqueue_dma source(%dma_start3A_49 : memref<7936xi32, #tpu.memory_space<hbm>>) target(%dma_start3A_47 : memref<7936xi32, #tpu.memory_space<vmem>>) target_semaphore(%arg8 : memref<!tpu.dma_semaphore, #tpu.memory_space<semaphore_mem>>)
    %scan3A_50 = arith.constant 0 : i32
    %scan3A_51 = arith.constant 0 : i32
    %scan3A_52 = arith.constant 128 : i32
    %scan3A_53 = arith.addi %scan3A_51, %scan3A_52 : i32
    %scan3A_54 = arith.constant 1 : i32
    scf.for %scan3A_58 = %scan3A_51 to %scan3A_53 step %scan3A_54  : i32 {
      %jit3A = arith.constant 2 : i32
      %eq3A = arith.constant 0 : i32
      %eq3A_59 = arith.cmpi eq, %jit3A, %eq3A : i32
      %jit3A_60 = arith.constant 1 : i32
      %select_n3A = arith.select %eq3A_59, %jit3A_60, %jit3A : i32
      %rem3A = arith.remsi %scan3A_58, %select_n3A : i32
      %ne3A = arith.constant 0 : i32
      %ne3A_61 = arith.cmpi ne, %rem3A, %ne3A : i32
      %lt3A = arith.constant 0 : i32
      %lt3A_62 = arith.cmpi slt, %rem3A, %lt3A : i32
      %lt3A_63 = arith.constant 0 : i32
      %lt3A_64 = arith.cmpi slt, %select_n3A, %lt3A_63 : i32
      %ne3A_65 = arith.xori %lt3A_62, %lt3A_64 : i1
      %and3A = arith.andi %ne3A_65, %ne3A_61 : i1
      %add3A_66 = arith.addi %rem3A, %select_n3A : i32
      %select_n3A_67 = arith.select %and3A, %add3A_66, %rem3A : i32
      %add3A_68 = arith.constant 1 : i32
      %add3A_69 = arith.addi %scan3A_58, %add3A_68 : i32
      %jit3A_70 = arith.constant 2 : i32
      %eq3A_71 = arith.constant 0 : i32
      %eq3A_72 = arith.cmpi eq, %jit3A_70, %eq3A_71 : i32
      %jit3A_73 = arith.constant 1 : i32
      %select_n3A_74 = arith.select %eq3A_72, %jit3A_73, %jit3A_70 : i32
      %rem3A_75 = arith.remsi %add3A_69, %select_n3A_74 : i32
      %ne3A_76 = arith.constant 0 : i32
      %ne3A_77 = arith.cmpi ne, %rem3A_75, %ne3A_76 : i32
      %lt3A_78 = arith.constant 0 : i32
      %lt3A_79 = arith.cmpi slt, %rem3A_75, %lt3A_78 : i32
      %lt3A_80 = arith.constant 0 : i32
      %lt3A_81 = arith.cmpi slt, %select_n3A_74, %lt3A_80 : i32
      %ne3A_82 = arith.xori %lt3A_79, %lt3A_81 : i1
      %and3A_83 = arith.andi %ne3A_82, %ne3A_77 : i1
      %add3A_84 = arith.addi %rem3A_75, %select_n3A_74 : i32
      %select_n3A_85 = arith.select %and3A_83, %add3A_84, %rem3A_75 : i32
      %mul3A_86 = arith.constant 7936 : i32
      %mul3A_87 = arith.muli %scan3A_58, %mul3A_86 : i32
      %dma_wait3A = arith.constant 0 : i32
      %dma_wait3A_88 = tpu.memref_slice %arg7[%select_n3A_67, %dma_wait3A] : memref<2x7936xi32, #tpu.memory_space<vmem>> -> memref<1x7936xi32, #tpu.memory_space<vmem>>
      %dma_wait3A_89 = tpu.memref_squeeze %dma_wait3A_88 : memref<1x7936xi32, #tpu.memory_space<vmem>> -> memref<7936xi32, #tpu.memory_space<vmem>>
      %dma_wait3A_90 = tpu.memref_slice %arg3[%mul3A_87] : memref<1015808xi32, #tpu.memory_space<hbm>> -> memref<7936xi32, #tpu.memory_space<hbm>>
      %dma_wait3A_91 = arith.constant 0 : i32
      %dma_wait3A_92 = tpu.memref_slice %arg7[%select_n3A_67, %dma_wait3A_91] : memref<2x7936xi32, #tpu.memory_space<vmem>> -> memref<1x7936xi32, #tpu.memory_space<vmem>>
      %dma_wait3A_93 = tpu.memref_squeeze %dma_wait3A_92 : memref<1x7936xi32, #tpu.memory_space<vmem>> -> memref<7936xi32, #tpu.memory_space<vmem>>
      %dma_wait3A_94 = tpu.memref_slice %arg3[%mul3A_87] : memref<1015808xi32, #tpu.memory_space<hbm>> -> memref<7936xi32, #tpu.memory_space<hbm>>
      tpu.wait_dma2 semaphore(%arg8 : memref<!tpu.dma_semaphore, #tpu.memory_space<semaphore_mem>>) src(%dma_wait3A_94 : memref<7936xi32, #tpu.memory_space<hbm>>) dst(%dma_wait3A_93 : memref<7936xi32, #tpu.memory_space<vmem>>)
      %add3A_95 = arith.constant 1 : i32
      %add3A_96 = arith.addi %scan3A_58, %add3A_95 : i32
      %lt3A_97 = arith.constant 128 : i32
      %lt3A_98 = arith.cmpi slt, %add3A_96, %lt3A_97 : i32
      %convert_element_type3A = arith.extui %lt3A_98 : i1 to i32
      %cond3A = arith.constant 0 : i32
      %cond3A_99 = arith.cmpi ne, %convert_element_type3A, %cond3A : i32
      scf.if %cond3A_99 {
        %add3A_102 = arith.constant 1 : i32
        %add3A_103 = arith.addi %scan3A_58, %add3A_102 : i32
        %mul3A_104 = arith.constant 7936 : i32
        %mul3A_105 = arith.muli %add3A_103, %mul3A_104 : i32
        %dma_start3A_106 = arith.constant 0 : i32
        %dma_start3A_107 = tpu.memref_slice %arg7[%select_n3A_85, %dma_start3A_106] : memref<2x7936xi32, #tpu.memory_space<vmem>> -> memref<1x7936xi32, #tpu.memory_space<vmem>>
        %dma_start3A_108 = tpu.memref_squeeze %dma_start3A_107 : memref<1x7936xi32, #tpu.memory_space<vmem>> -> memref<7936xi32, #tpu.memory_space<vmem>>
        %dma_start3A_109 = tpu.memref_slice %arg3[%mul3A_105] : memref<1015808xi32, #tpu.memory_space<hbm>> -> memref<7936xi32, #tpu.memory_space<hbm>>
        %dma_start3A_110 = arith.constant 0 : i32
        %dma_start3A_111 = tpu.memref_slice %arg7[%select_n3A_85, %dma_start3A_110] : memref<2x7936xi32, #tpu.memory_space<vmem>> -> memref<1x7936xi32, #tpu.memory_space<vmem>>
        %dma_start3A_112 = tpu.memref_squeeze %dma_start3A_111 : memref<1x7936xi32, #tpu.memory_space<vmem>> -> memref<7936xi32, #tpu.memory_space<vmem>>
        %dma_start3A_113 = tpu.memref_slice %arg3[%mul3A_105] : memref<1015808xi32, #tpu.memory_space<hbm>> -> memref<7936xi32, #tpu.memory_space<hbm>>
        tpu.enqueue_dma source(%dma_start3A_113 : memref<7936xi32, #tpu.memory_space<hbm>>) target(%dma_start3A_112 : memref<7936xi32, #tpu.memory_space<vmem>>) target_semaphore(%arg8 : memref<!tpu.dma_semaphore, #tpu.memory_space<semaphore_mem>>)
      } else {
      }
      %parallel_loop3A = arith.constant 0 : i32
      %parallel_loop3A_100 = arith.constant 496 : i32
      %parallel_loop3A_101 = arith.constant 1 : i32
      scf.for %parallel_loop3A_102 = %parallel_loop3A to %parallel_loop3A_100 step %parallel_loop3A_101  : i32 {
        %parallel_loop3A_103 = arith.constant 16 : i32
        %parallel_loop3A_104 = arith.muli %parallel_loop3A_102, %parallel_loop3A_103 : i32
        %parallel_loop3A_105 = arith.index_cast %select_n3A_67 : i32 to index
        %parallel_loop3A_106 = arith.index_cast %parallel_loop3A_104 : i32 to index
        %parallel_loop3A_107 = tpu.vector_load %arg7[%parallel_loop3A_105, %parallel_loop3A_106] {strides = array<i32>} : memref<2x7936xi32, #tpu.memory_space<vmem>>, vector<16xi32>,
        %parallel_loop3A_108 = arith.constant 65535 : i32
        %parallel_loop3A_109 = vector.broadcast %parallel_loop3A_108 : i32 to vector<16xi32>
        %parallel_loop3A_110 = arith.andi %parallel_loop3A_107, %parallel_loop3A_109 : vector<16xi32>
        %parallel_loop3A_111 = arith.constant 16 : i32
        %parallel_loop3A_112 = vector.broadcast %parallel_loop3A_111 : i32 to vector<16xi32>
        %parallel_loop3A_113 = arith.shrui %parallel_loop3A_107, %parallel_loop3A_112 : vector<16xi32>
        %parallel_loop3A_114 = tpu.vector_load_idx %arg5[%parallel_loop3A_110] : memref<31744xf32, #tpu.memory_space<vmem>>[vector<16xi32>], vector<16xf32>,
        tpu.vector_store_idx %arg6[%parallel_loop3A_113], %parallel_loop3A_114 {add = true} : memref<31744xf32, #tpu.memory_space<vmem>>[vector<16xi32>], vector<16xf32>,
      } {sc.loop_unroll_factor = 16 : i64, sc.parallel_access}
    }
    %scan3A_55 = arith.constant 128 : i32
    %mul3A_56 = arith.constant 31744 : i32
    %mul3A_57 = arith.muli %add3A_30, %mul3A_56 : i32
    "tpu.region"() ({
      %run_scoped3A = tpu.sem_alloc : memref<!tpu.dma_semaphore, #tpu.memory_space<semaphore_mem>>
      %dma_start3A_58 = tpu.memref_slice %arg4[%mul3A_57] : memref<2031616xf32, #tpu.memory_space<hbm>> -> memref<31744xf32, #tpu.memory_space<hbm>>
      %dma_start3A_59 = tpu.memref_slice %arg4[%mul3A_57] : memref<2031616xf32, #tpu.memory_space<hbm>> -> memref<31744xf32, #tpu.memory_space<hbm>>
      tpu.enqueue_dma source(%arg6 : memref<31744xf32, #tpu.memory_space<vmem>>) target(%dma_start3A_59 : memref<31744xf32, #tpu.memory_space<hbm>>) target_semaphore(%run_scoped3A : memref<!tpu.dma_semaphore, #tpu.memory_space<semaphore_mem>>)
      %dma_wait3A = tpu.memref_slice %arg4[%mul3A_57] : memref<2031616xf32, #tpu.memory_space<hbm>> -> memref<31744xf32, #tpu.memory_space<hbm>>
      %dma_wait3A_60 = tpu.memref_slice %arg4[%mul3A_57] : memref<2031616xf32, #tpu.memory_space<hbm>> -> memref<31744xf32, #tpu.memory_space<hbm>>
      tpu.wait_dma2 semaphore(%run_scoped3A : memref<!tpu.dma_semaphore, #tpu.memory_space<semaphore_mem>>) src(%arg6 : memref<31744xf32, #tpu.memory_space<vmem>>) dst(%dma_wait3A_60 : memref<31744xf32, #tpu.memory_space<hbm>>)
      tpu.yield
    }) : () -> ()
    return
  }
}

#map = affine_map<(d0, d1) -> (0)>
module attributes {stable_mosaic.version = 14 : i64} {
  func.func @seg_kernel(%arg0: i32, %arg1: i32, %arg2: memref<2031616xf32, #tpu.memory_space<hbm>>, %arg3: memref<1015808xi32, #tpu.memory_space<hbm>>, %arg4: memref<2031616xf32, #tpu.memory_space<hbm>>, %arg5: memref<31744xf32, #tpu.memory_space<vmem>>, %arg6: memref<31744xf32, #tpu.memory_space<vmem>>, %arg7: memref<2x7936xi32, #tpu.memory_space<vmem>>, %arg8: memref<!tpu.dma_semaphore, #tpu.memory_space<semaphore_mem>>) attributes {dimension_semantics = [#tpu.dimension_semantics<core_parallel>, #tpu.dimension_semantics<subcore_parallel>], iteration_bounds = array<i64: 2, 16>, scalar_prefetch = 0 : i64, scratch_operands = 4 : i64, tpu.core_type = #tpu.core_type<sc_vector_subcore>, window_params = [{transform_indices = #map}, {transform_indices = #map}, {transform_indices = #map}]} {
    %mul3A = arith.constant 2 : i32
    %mul3A_0 = arith.muli %arg1, %mul3A : i32
    %add3A = arith.addi %mul3A_0, %arg0 : i32
    %broadcast_in_dim3A = arith.constant 0.000000e+00 : f32
    %broadcast_in_dim3A_1 = vector.broadcast %broadcast_in_dim3A : f32 to vector<16xf32>
    %add3A_2 = arith.constant 0 : i32
    %add3A_3 = arith.addi %add3A, %add3A_2 : i32
    %mul3A_4 = arith.constant 31744 : i32
    %mul3A_5 = arith.muli %add3A_3, %mul3A_4 : i32
    "tpu.region"() ({
      %run_scoped3A = tpu.sem_alloc : memref<!tpu.dma_semaphore, #tpu.memory_space<semaphore_mem>>
      %dma_start3A_58 = tpu.memref_slice %arg2[%mul3A_5] : memref<2031616xf32, #tpu.memory_space<hbm>> -> memref<31744xf32, #tpu.memory_space<hbm>>
      %dma_start3A_59 = tpu.memref_slice %arg2[%mul3A_5] : memref<2031616xf32, #tpu.memory_space<hbm>> -> memref<31744xf32, #tpu.memory_space<hbm>>
      tpu.enqueue_dma source(%dma_start3A_59 : memref<31744xf32, #tpu.memory_space<hbm>>) target(%arg5 : memref<31744xf32, #tpu.memory_space<vmem>>) target_semaphore(%run_scoped3A : memref<!tpu.dma_semaphore, #tpu.memory_space<semaphore_mem>>)
      %dma_wait3A = tpu.memref_slice %arg2[%mul3A_5] : memref<2031616xf32, #tpu.memory_space<hbm>> -> memref<31744xf32, #tpu.memory_space<hbm>>
      %dma_wait3A_60 = tpu.memref_slice %arg2[%mul3A_5] : memref<2031616xf32, #tpu.memory_space<hbm>> -> memref<31744xf32, #tpu.memory_space<hbm>>
      tpu.wait_dma2 semaphore(%run_scoped3A : memref<!tpu.dma_semaphore, #tpu.memory_space<semaphore_mem>>) src(%dma_wait3A_60 : memref<31744xf32, #tpu.memory_space<hbm>>) dst(%arg5 : memref<31744xf32, #tpu.memory_space<vmem>>)
      tpu.yield
    }) : () -> ()
    %scan3A = arith.constant 0 : i32
    %scan3A_6 = arith.constant 0 : i32
    %scan3A_7 = arith.constant 1984 : i32
    %scan3A_8 = arith.addi %scan3A_6, %scan3A_7 : i32
    %scan3A_9 = arith.constant 1 : i32
    scf.for %scan3A_58 = %scan3A_6 to %scan3A_8 step %scan3A_9  : i32 {
      %mul3A_59 = arith.constant 16 : i32
      %mul3A_60 = arith.muli %scan3A_58, %mul3A_59 : i32
      %swap3A = arith.index_cast %mul3A_60 : i32 to index
      %swap3A_61 = tpu.vector_load %arg6[%swap3A] {strides = array<i32>} : memref<31744xf32, #tpu.memory_space<vmem>>, vector<16xf32>,
      tpu.vector_store %arg6[%swap3A], %broadcast_in_dim3A_1 {strides = array<i32>} : memref<31744xf32, #tpu.memory_space<vmem>>, vector<16xf32>,
    }
    %scan3A_10 = arith.constant 1984 : i32
    %dma_start3A = arith.constant 0 : i32
    %dma_start3A_11 = arith.constant 0 : i32
    %dma_start3A_12 = tpu.memref_slice %arg7[%dma_start3A, %dma_start3A_11] : memref<2x7936xi32, #tpu.memory_space<vmem>> -> memref<1x7936xi32, #tpu.memory_space<vmem>>
    %dma_start3A_13 = tpu.memref_squeeze %dma_start3A_12 : memref<1x7936xi32, #tpu.memory_space<vmem>> -> memref<7936xi32, #tpu.memory_space<vmem>>
    %dma_start3A_14 = arith.constant 0 : i32
    %dma_start3A_15 = tpu.memref_slice %arg3[%dma_start3A_14] : memref<1015808xi32, #tpu.memory_space<hbm>> -> memref<7936xi32, #tpu.memory_space<hbm>>
    %dma_start3A_16 = arith.constant 0 : i32
    %dma_start3A_17 = tpu.memref_slice %arg7[%dma_start3A, %dma_start3A_16] : memref<2x7936xi32, #tpu.memory_space<vmem>> -> memref<1x7936xi32, #tpu.memory_space<vmem>>
    %dma_start3A_18 = tpu.memref_squeeze %dma_start3A_17 : memref<1x7936xi32, #tpu.memory_space<vmem>> -> memref<7936xi32, #tpu.memory_space<vmem>>
    %dma_start3A_19 = arith.constant 0 : i32
    %dma_start3A_20 = tpu.memref_slice %arg3[%dma_start3A_19] : memref<1015808xi32, #tpu.memory_space<hbm>> -> memref<7936xi32, #tpu.memory_space<hbm>>
    tpu.enqueue_dma source(%dma_start3A_20 : memref<7936xi32, #tpu.memory_space<hbm>>) target(%dma_start3A_18 : memref<7936xi32, #tpu.memory_space<vmem>>) target_semaphore(%arg8 : memref<!tpu.dma_semaphore, #tpu.memory_space<semaphore_mem>>)
    %scan3A_21 = arith.constant 0 : i32
    %scan3A_22 = arith.constant 0 : i32
    %scan3A_23 = arith.constant 128 : i32
    %scan3A_24 = arith.addi %scan3A_22, %scan3A_23 : i32
    %scan3A_25 = arith.constant 1 : i32
    scf.for %scan3A_58 = %scan3A_22 to %scan3A_24 step %scan3A_25  : i32 {
      %jit3A = arith.constant 2 : i32
      %eq3A = arith.constant 0 : i32
      %eq3A_59 = arith.cmpi eq, %jit3A, %eq3A : i32
      %jit3A_60 = arith.constant 1 : i32
      %select_n3A = arith.select %eq3A_59, %jit3A_60, %jit3A : i32
      %rem3A = arith.remsi %scan3A_58, %select_n3A : i32
      %ne3A = arith.constant 0 : i32
      %ne3A_61 = arith.cmpi ne, %rem3A, %ne3A : i32
      %lt3A = arith.constant 0 : i32
      %lt3A_62 = arith.cmpi slt, %rem3A, %lt3A : i32
      %lt3A_63 = arith.constant 0 : i32
      %lt3A_64 = arith.cmpi slt, %select_n3A, %lt3A_63 : i32
      %ne3A_65 = arith.xori %lt3A_62, %lt3A_64 : i1
      %and3A = arith.andi %ne3A_65, %ne3A_61 : i1
      %add3A_66 = arith.addi %rem3A, %select_n3A : i32
      %select_n3A_67 = arith.select %and3A, %add3A_66, %rem3A : i32
      %add3A_68 = arith.constant 1 : i32
      %add3A_69 = arith.addi %scan3A_58, %add3A_68 : i32
      %jit3A_70 = arith.constant 2 : i32
      %eq3A_71 = arith.constant 0 : i32
      %eq3A_72 = arith.cmpi eq, %jit3A_70, %eq3A_71 : i32
      %jit3A_73 = arith.constant 1 : i32
      %select_n3A_74 = arith.select %eq3A_72, %jit3A_73, %jit3A_70 : i32
      %rem3A_75 = arith.remsi %add3A_69, %select_n3A_74 : i32
      %ne3A_76 = arith.constant 0 : i32
      %ne3A_77 = arith.cmpi ne, %rem3A_75, %ne3A_76 : i32
      %lt3A_78 = arith.constant 0 : i32
      %lt3A_79 = arith.cmpi slt, %rem3A_75, %lt3A_78 : i32
      %lt3A_80 = arith.constant 0 : i32
      %lt3A_81 = arith.cmpi slt, %select_n3A_74, %lt3A_80 : i32
      %ne3A_82 = arith.xori %lt3A_79, %lt3A_81 : i1
      %and3A_83 = arith.andi %ne3A_82, %ne3A_77 : i1
      %add3A_84 = arith.addi %rem3A_75, %select_n3A_74 : i32
      %select_n3A_85 = arith.select %and3A_83, %add3A_84, %rem3A_75 : i32
      %mul3A_86 = arith.constant 7936 : i32
      %mul3A_87 = arith.muli %scan3A_58, %mul3A_86 : i32
      %dma_wait3A = arith.constant 0 : i32
      %dma_wait3A_88 = tpu.memref_slice %arg7[%select_n3A_67, %dma_wait3A] : memref<2x7936xi32, #tpu.memory_space<vmem>> -> memref<1x7936xi32, #tpu.memory_space<vmem>>
      %dma_wait3A_89 = tpu.memref_squeeze %dma_wait3A_88 : memref<1x7936xi32, #tpu.memory_space<vmem>> -> memref<7936xi32, #tpu.memory_space<vmem>>
      %dma_wait3A_90 = tpu.memref_slice %arg3[%mul3A_87] : memref<1015808xi32, #tpu.memory_space<hbm>> -> memref<7936xi32, #tpu.memory_space<hbm>>
      %dma_wait3A_91 = arith.constant 0 : i32
      %dma_wait3A_92 = tpu.memref_slice %arg7[%select_n3A_67, %dma_wait3A_91] : memref<2x7936xi32, #tpu.memory_space<vmem>> -> memref<1x7936xi32, #tpu.memory_space<vmem>>
      %dma_wait3A_93 = tpu.memref_squeeze %dma_wait3A_92 : memref<1x7936xi32, #tpu.memory_space<vmem>> -> memref<7936xi32, #tpu.memory_space<vmem>>
      %dma_wait3A_94 = tpu.memref_slice %arg3[%mul3A_87] : memref<1015808xi32, #tpu.memory_space<hbm>> -> memref<7936xi32, #tpu.memory_space<hbm>>
      tpu.wait_dma2 semaphore(%arg8 : memref<!tpu.dma_semaphore, #tpu.memory_space<semaphore_mem>>) src(%dma_wait3A_94 : memref<7936xi32, #tpu.memory_space<hbm>>) dst(%dma_wait3A_93 : memref<7936xi32, #tpu.memory_space<vmem>>)
      %add3A_95 = arith.constant 1 : i32
      %add3A_96 = arith.addi %scan3A_58, %add3A_95 : i32
      %lt3A_97 = arith.constant 128 : i32
      %lt3A_98 = arith.cmpi slt, %add3A_96, %lt3A_97 : i32
      %convert_element_type3A = arith.extui %lt3A_98 : i1 to i32
      %cond3A = arith.constant 0 : i32
      %cond3A_99 = arith.cmpi ne, %convert_element_type3A, %cond3A : i32
      scf.if %cond3A_99 {
        %add3A_102 = arith.constant 1 : i32
        %add3A_103 = arith.addi %scan3A_58, %add3A_102 : i32
        %mul3A_104 = arith.constant 7936 : i32
        %mul3A_105 = arith.muli %add3A_103, %mul3A_104 : i32
        %dma_start3A_106 = arith.constant 0 : i32
        %dma_start3A_107 = tpu.memref_slice %arg7[%select_n3A_85, %dma_start3A_106] : memref<2x7936xi32, #tpu.memory_space<vmem>> -> memref<1x7936xi32, #tpu.memory_space<vmem>>
        %dma_start3A_108 = tpu.memref_squeeze %dma_start3A_107 : memref<1x7936xi32, #tpu.memory_space<vmem>> -> memref<7936xi32, #tpu.memory_space<vmem>>
        %dma_start3A_109 = tpu.memref_slice %arg3[%mul3A_105] : memref<1015808xi32, #tpu.memory_space<hbm>> -> memref<7936xi32, #tpu.memory_space<hbm>>
        %dma_start3A_110 = arith.constant 0 : i32
        %dma_start3A_111 = tpu.memref_slice %arg7[%select_n3A_85, %dma_start3A_110] : memref<2x7936xi32, #tpu.memory_space<vmem>> -> memref<1x7936xi32, #tpu.memory_space<vmem>>
        %dma_start3A_112 = tpu.memref_squeeze %dma_start3A_111 : memref<1x7936xi32, #tpu.memory_space<vmem>> -> memref<7936xi32, #tpu.memory_space<vmem>>
        %dma_start3A_113 = tpu.memref_slice %arg3[%mul3A_105] : memref<1015808xi32, #tpu.memory_space<hbm>> -> memref<7936xi32, #tpu.memory_space<hbm>>
        tpu.enqueue_dma source(%dma_start3A_113 : memref<7936xi32, #tpu.memory_space<hbm>>) target(%dma_start3A_112 : memref<7936xi32, #tpu.memory_space<vmem>>) target_semaphore(%arg8 : memref<!tpu.dma_semaphore, #tpu.memory_space<semaphore_mem>>)
      } else {
      }
      %parallel_loop3A = arith.constant 0 : i32
      %parallel_loop3A_100 = arith.constant 496 : i32
      %parallel_loop3A_101 = arith.constant 1 : i32
      scf.for %parallel_loop3A_102 = %parallel_loop3A to %parallel_loop3A_100 step %parallel_loop3A_101  : i32 {
        %parallel_loop3A_103 = arith.constant 16 : i32
        %parallel_loop3A_104 = arith.muli %parallel_loop3A_102, %parallel_loop3A_103 : i32
        %parallel_loop3A_105 = arith.index_cast %select_n3A_67 : i32 to index
        %parallel_loop3A_106 = arith.index_cast %parallel_loop3A_104 : i32 to index
        %parallel_loop3A_107 = tpu.vector_load %arg7[%parallel_loop3A_105, %parallel_loop3A_106] {strides = array<i32>} : memref<2x7936xi32, #tpu.memory_space<vmem>>, vector<16xi32>,
        %parallel_loop3A_108 = arith.constant 65535 : i32
        %parallel_loop3A_109 = vector.broadcast %parallel_loop3A_108 : i32 to vector<16xi32>
        %parallel_loop3A_110 = arith.andi %parallel_loop3A_107, %parallel_loop3A_109 : vector<16xi32>
        %parallel_loop3A_111 = arith.constant 16 : i32
        %parallel_loop3A_112 = vector.broadcast %parallel_loop3A_111 : i32 to vector<16xi32>
        %parallel_loop3A_113 = arith.shrui %parallel_loop3A_107, %parallel_loop3A_112 : vector<16xi32>
        %parallel_loop3A_114 = tpu.vector_load_idx %arg5[%parallel_loop3A_110] : memref<31744xf32, #tpu.memory_space<vmem>>[vector<16xi32>], vector<16xf32>,
        tpu.vector_store_idx %arg6[%parallel_loop3A_113], %parallel_loop3A_114 {add = true} : memref<31744xf32, #tpu.memory_space<vmem>>[vector<16xi32>], vector<16xf32>,
      } {sc.loop_unroll_factor = 16 : i64, sc.parallel_access}
    }
    %scan3A_26 = arith.constant 128 : i32
    %mul3A_27 = arith.constant 31744 : i32
    %mul3A_28 = arith.muli %add3A_3, %mul3A_27 : i32
    "tpu.region"() ({
      %run_scoped3A = tpu.sem_alloc : memref<!tpu.dma_semaphore, #tpu.memory_space<semaphore_mem>>
      %dma_start3A_58 = tpu.memref_slice %arg4[%mul3A_28] : memref<2031616xf32, #tpu.memory_space<hbm>> -> memref<31744xf32, #tpu.memory_space<hbm>>
      %dma_start3A_59 = tpu.memref_slice %arg4[%mul3A_28] : memref<2031616xf32, #tpu.memory_space<hbm>> -> memref<31744xf32, #tpu.memory_space<hbm>>
      tpu.enqueue_dma source(%arg6 : memref<31744xf32, #tpu.memory_space<vmem>>) target(%dma_start3A_59 : memref<31744xf32, #tpu.memory_space<hbm>>) target_semaphore(%run_scoped3A : memref<!tpu.dma_semaphore, #tpu.memory_space<semaphore_mem>>)
      %dma_wait3A = tpu.memref_slice %arg4[%mul3A_28] : memref<2031616xf32, #tpu.memory_space<hbm>> -> memref<31744xf32, #tpu.memory_space<hbm>>
      %dma_wait3A_60 = tpu.memref_slice %arg4[%mul3A_28] : memref<2031616xf32, #tpu.memory_space<hbm>> -> memref<31744xf32, #tpu.memory_space<hbm>>
      tpu.wait_dma2 semaphore(%run_scoped3A : memref<!tpu.dma_semaphore, #tpu.memory_space<semaphore_mem>>) src(%arg6 : memref<31744xf32, #tpu.memory_space<vmem>>) dst(%dma_wait3A_60 : memref<31744xf32, #tpu.memory_space<hbm>>)
      tpu.yield
    }) : () -> ()
    %add3A_29 = arith.constant 32 : i32
    %add3A_30 = arith.addi %add3A, %add3A_29 : i32
    %mul3A_31 = arith.constant 31744 : i32
    %mul3A_32 = arith.muli %add3A_30, %mul3A_31 : i32
    "tpu.region"() ({
      %run_scoped3A = tpu.sem_alloc : memref<!tpu.dma_semaphore, #tpu.memory_space<semaphore_mem>>
      %dma_start3A_58 = tpu.memref_slice %arg2[%mul3A_32] : memref<2031616xf32, #tpu.memory_space<hbm>> -> memref<31744xf32, #tpu.memory_space<hbm>>
      %dma_start3A_59 = tpu.memref_slice %arg2[%mul3A_32] : memref<2031616xf32, #tpu.memory_space<hbm>> -> memref<31744xf32, #tpu.memory_space<hbm>>
      tpu.enqueue_dma source(%dma_start3A_59 : memref<31744xf32, #tpu.memory_space<hbm>>) target(%arg5 : memref<31744xf32, #tpu.memory_space<vmem>>) target_semaphore(%run_scoped3A : memref<!tpu.dma_semaphore, #tpu.memory_space<semaphore_mem>>)
      %dma_wait3A = tpu.memref_slice %arg2[%mul3A_32] : memref<2031616xf32, #tpu.memory_space<hbm>> -> memref<31744xf32, #tpu.memory_space<hbm>>
      %dma_wait3A_60 = tpu.memref_slice %arg2[%mul3A_32] : memref<2031616xf32, #tpu.memory_space<hbm>> -> memref<31744xf32, #tpu.memory_space<hbm>>
      tpu.wait_dma2 semaphore(%run_scoped3A : memref<!tpu.dma_semaphore, #tpu.memory_space<semaphore_mem>>) src(%dma_wait3A_60 : memref<31744xf32, #tpu.memory_space<hbm>>) dst(%arg5 : memref<31744xf32, #tpu.memory_space<vmem>>)
      tpu.yield
    }) : () -> ()
    %scan3A_33 = arith.constant 0 : i32
    %scan3A_34 = arith.constant 0 : i32
    %scan3A_35 = arith.constant 1984 : i32
    %scan3A_36 = arith.addi %scan3A_34, %scan3A_35 : i32
    %scan3A_37 = arith.constant 1 : i32
    scf.for %scan3A_58 = %scan3A_34 to %scan3A_36 step %scan3A_37  : i32 {
      %mul3A_59 = arith.constant 16 : i32
      %mul3A_60 = arith.muli %scan3A_58, %mul3A_59 : i32
      %swap3A = arith.index_cast %mul3A_60 : i32 to index
      %swap3A_61 = tpu.vector_load %arg6[%swap3A] {strides = array<i32>} : memref<31744xf32, #tpu.memory_space<vmem>>, vector<16xf32>,
      tpu.vector_store %arg6[%swap3A], %broadcast_in_dim3A_1 {strides = array<i32>} : memref<31744xf32, #tpu.memory_space<vmem>>, vector<16xf32>,
    }
    %scan3A_38 = arith.constant 1984 : i32
    %dma_start3A_39 = arith.constant 0 : i32
    %dma_start3A_40 = arith.constant 0 : i32
    %dma_start3A_41 = tpu.memref_slice %arg7[%dma_start3A_39, %dma_start3A_40] : memref<2x7936xi32, #tpu.memory_space<vmem>> -> memref<1x7936xi32, #tpu.memory_space<vmem>>
    %dma_start3A_42 = tpu.memref_squeeze %dma_start3A_41 : memref<1x7936xi32, #tpu.memory_space<vmem>> -> memref<7936xi32, #tpu.memory_space<vmem>>
    %dma_start3A_43 = arith.constant 0 : i32
    %dma_start3A_44 = tpu.memref_slice %arg3[%dma_start3A_43] : memref<1015808xi32, #tpu.memory_space<hbm>> -> memref<7936xi32, #tpu.memory_space<hbm>>
    %dma_start3A_45 = arith.constant 0 : i32
    %dma_start3A_46 = tpu.memref_slice %arg7[%dma_start3A_39, %dma_start3A_45] : memref<2x7936xi32, #tpu.memory_space<vmem>> -> memref<1x7936xi32, #tpu.memory_space<vmem>>
    %dma_start3A_47 = tpu.memref_squeeze %dma_start3A_46 : memref<1x7936xi32, #tpu.memory_space<vmem>> -> memref<7936xi32, #tpu.memory_space<vmem>>
    %dma_start3A_48 = arith.constant 0 : i32
    %dma_start3A_49 = tpu.memref_slice %arg3[%dma_start3A_48] : memref<1015808xi32, #tpu.memory_space<hbm>> -> memref<7936xi32, #tpu.memory_space<hbm>>
    tpu.enqueue_dma source(%dma_start3A_49 : memref<7936xi32, #tpu.memory_space<hbm>>) target(%dma_start3A_47 : memref<7936xi32, #tpu.memory_space<vmem>>) target_semaphore(%arg8 : memref<!tpu.dma_semaphore, #tpu.memory_space<semaphore_mem>>)
    %scan3A_50 = arith.constant 0 : i32
    %scan3A_51 = arith.constant 0 : i32
    %scan3A_52 = arith.constant 128 : i32
    %scan3A_53 = arith.addi %scan3A_51, %scan3A_52 : i32
    %scan3A_54 = arith.constant 1 : i32
    scf.for %scan3A_58 = %scan3A_51 to %scan3A_53 step %scan3A_54  : i32 {
      %jit3A = arith.constant 2 : i32
      %eq3A = arith.constant 0 : i32
      %eq3A_59 = arith.cmpi eq, %jit3A, %eq3A : i32
      %jit3A_60 = arith.constant 1 : i32
      %select_n3A = arith.select %eq3A_59, %jit3A_60, %jit3A : i32
      %rem3A = arith.remsi %scan3A_58, %select_n3A : i32
      %ne3A = arith.constant 0 : i32
      %ne3A_61 = arith.cmpi ne, %rem3A, %ne3A : i32
      %lt3A = arith.constant 0 : i32
      %lt3A_62 = arith.cmpi slt, %rem3A, %lt3A : i32
      %lt3A_63 = arith.constant 0 : i32
      %lt3A_64 = arith.cmpi slt, %select_n3A, %lt3A_63 : i32
      %ne3A_65 = arith.xori %lt3A_62, %lt3A_64 : i1
      %and3A = arith.andi %ne3A_65, %ne3A_61 : i1
      %add3A_66 = arith.addi %rem3A, %select_n3A : i32
      %select_n3A_67 = arith.select %and3A, %add3A_66, %rem3A : i32
      %add3A_68 = arith.constant 1 : i32
      %add3A_69 = arith.addi %scan3A_58, %add3A_68 : i32
      %jit3A_70 = arith.constant 2 : i32
      %eq3A_71 = arith.constant 0 : i32
      %eq3A_72 = arith.cmpi eq, %jit3A_70, %eq3A_71 : i32
      %jit3A_73 = arith.constant 1 : i32
      %select_n3A_74 = arith.select %eq3A_72, %jit3A_73, %jit3A_70 : i32
      %rem3A_75 = arith.remsi %add3A_69, %select_n3A_74 : i32
      %ne3A_76 = arith.constant 0 : i32
      %ne3A_77 = arith.cmpi ne, %rem3A_75, %ne3A_76 : i32
      %lt3A_78 = arith.constant 0 : i32
      %lt3A_79 = arith.cmpi slt, %rem3A_75, %lt3A_78 : i32
      %lt3A_80 = arith.constant 0 : i32
      %lt3A_81 = arith.cmpi slt, %select_n3A_74, %lt3A_80 : i32
      %ne3A_82 = arith.xori %lt3A_79, %lt3A_81 : i1
      %and3A_83 = arith.andi %ne3A_82, %ne3A_77 : i1
      %add3A_84 = arith.addi %rem3A_75, %select_n3A_74 : i32
      %select_n3A_85 = arith.select %and3A_83, %add3A_84, %rem3A_75 : i32
      %mul3A_86 = arith.constant 7936 : i32
      %mul3A_87 = arith.muli %scan3A_58, %mul3A_86 : i32
      %dma_wait3A = arith.constant 0 : i32
      %dma_wait3A_88 = tpu.memref_slice %arg7[%select_n3A_67, %dma_wait3A] : memref<2x7936xi32, #tpu.memory_space<vmem>> -> memref<1x7936xi32, #tpu.memory_space<vmem>>
      %dma_wait3A_89 = tpu.memref_squeeze %dma_wait3A_88 : memref<1x7936xi32, #tpu.memory_space<vmem>> -> memref<7936xi32, #tpu.memory_space<vmem>>
      %dma_wait3A_90 = tpu.memref_slice %arg3[%mul3A_87] : memref<1015808xi32, #tpu.memory_space<hbm>> -> memref<7936xi32, #tpu.memory_space<hbm>>
      %dma_wait3A_91 = arith.constant 0 : i32
      %dma_wait3A_92 = tpu.memref_slice %arg7[%select_n3A_67, %dma_wait3A_91] : memref<2x7936xi32, #tpu.memory_space<vmem>> -> memref<1x7936xi32, #tpu.memory_space<vmem>>
      %dma_wait3A_93 = tpu.memref_squeeze %dma_wait3A_92 : memref<1x7936xi32, #tpu.memory_space<vmem>> -> memref<7936xi32, #tpu.memory_space<vmem>>
      %dma_wait3A_94 = tpu.memref_slice %arg3[%mul3A_87] : memref<1015808xi32, #tpu.memory_space<hbm>> -> memref<7936xi32, #tpu.memory_space<hbm>>
      tpu.wait_dma2 semaphore(%arg8 : memref<!tpu.dma_semaphore, #tpu.memory_space<semaphore_mem>>) src(%dma_wait3A_94 : memref<7936xi32, #tpu.memory_space<hbm>>) dst(%dma_wait3A_93 : memref<7936xi32, #tpu.memory_space<vmem>>)
      %add3A_95 = arith.constant 1 : i32
      %add3A_96 = arith.addi %scan3A_58, %add3A_95 : i32
      %lt3A_97 = arith.constant 128 : i32
      %lt3A_98 = arith.cmpi slt, %add3A_96, %lt3A_97 : i32
      %convert_element_type3A = arith.extui %lt3A_98 : i1 to i32
      %cond3A = arith.constant 0 : i32
      %cond3A_99 = arith.cmpi ne, %convert_element_type3A, %cond3A : i32
      scf.if %cond3A_99 {
        %add3A_102 = arith.constant 1 : i32
        %add3A_103 = arith.addi %scan3A_58, %add3A_102 : i32
        %mul3A_104 = arith.constant 7936 : i32
        %mul3A_105 = arith.muli %add3A_103, %mul3A_104 : i32
        %dma_start3A_106 = arith.constant 0 : i32
        %dma_start3A_107 = tpu.memref_slice %arg7[%select_n3A_85, %dma_start3A_106] : memref<2x7936xi32, #tpu.memory_space<vmem>> -> memref<1x7936xi32, #tpu.memory_space<vmem>>
        %dma_start3A_108 = tpu.memref_squeeze %dma_start3A_107 : memref<1x7936xi32, #tpu.memory_space<vmem>> -> memref<7936xi32, #tpu.memory_space<vmem>>
        %dma_start3A_109 = tpu.memref_slice %arg3[%mul3A_105] : memref<1015808xi32, #tpu.memory_space<hbm>> -> memref<7936xi32, #tpu.memory_space<hbm>>
        %dma_start3A_110 = arith.constant 0 : i32
        %dma_start3A_111 = tpu.memref_slice %arg7[%select_n3A_85, %dma_start3A_110] : memref<2x7936xi32, #tpu.memory_space<vmem>> -> memref<1x7936xi32, #tpu.memory_space<vmem>>
        %dma_start3A_112 = tpu.memref_squeeze %dma_start3A_111 : memref<1x7936xi32, #tpu.memory_space<vmem>> -> memref<7936xi32, #tpu.memory_space<vmem>>
        %dma_start3A_113 = tpu.memref_slice %arg3[%mul3A_105] : memref<1015808xi32, #tpu.memory_space<hbm>> -> memref<7936xi32, #tpu.memory_space<hbm>>
        tpu.enqueue_dma source(%dma_start3A_113 : memref<7936xi32, #tpu.memory_space<hbm>>) target(%dma_start3A_112 : memref<7936xi32, #tpu.memory_space<vmem>>) target_semaphore(%arg8 : memref<!tpu.dma_semaphore, #tpu.memory_space<semaphore_mem>>)
      } else {
      }
      %parallel_loop3A = arith.constant 0 : i32
      %parallel_loop3A_100 = arith.constant 496 : i32
      %parallel_loop3A_101 = arith.constant 1 : i32
      scf.for %parallel_loop3A_102 = %parallel_loop3A to %parallel_loop3A_100 step %parallel_loop3A_101  : i32 {
        %parallel_loop3A_103 = arith.constant 16 : i32
        %parallel_loop3A_104 = arith.muli %parallel_loop3A_102, %parallel_loop3A_103 : i32
        %parallel_loop3A_105 = arith.index_cast %select_n3A_67 : i32 to index
        %parallel_loop3A_106 = arith.index_cast %parallel_loop3A_104 : i32 to index
        %parallel_loop3A_107 = tpu.vector_load %arg7[%parallel_loop3A_105, %parallel_loop3A_106] {strides = array<i32>} : memref<2x7936xi32, #tpu.memory_space<vmem>>, vector<16xi32>,
        %parallel_loop3A_108 = arith.constant 65535 : i32
        %parallel_loop3A_109 = vector.broadcast %parallel_loop3A_108 : i32 to vector<16xi32>
        %parallel_loop3A_110 = arith.andi %parallel_loop3A_107, %parallel_loop3A_109 : vector<16xi32>
        %parallel_loop3A_111 = arith.constant 16 : i32
        %parallel_loop3A_112 = vector.broadcast %parallel_loop3A_111 : i32 to vector<16xi32>
        %parallel_loop3A_113 = arith.shrui %parallel_loop3A_107, %parallel_loop3A_112 : vector<16xi32>
        %parallel_loop3A_114 = tpu.vector_load_idx %arg5[%parallel_loop3A_110] : memref<31744xf32, #tpu.memory_space<vmem>>[vector<16xi32>], vector<16xf32>,
        tpu.vector_store_idx %arg6[%parallel_loop3A_113], %parallel_loop3A_114 {add = true} : memref<31744xf32, #tpu.memory_space<vmem>>[vector<16xi32>], vector<16xf32>,
      } {sc.loop_unroll_factor = 16 : i64, sc.parallel_access}
    }
    %scan3A_55 = arith.constant 128 : i32
    %mul3A_56 = arith.constant 31744 : i32
    %mul3A_57 = arith.muli %add3A_30, %mul3A_56 : i32
    "tpu.region"() ({
      %run_scoped3A = tpu.sem_alloc : memref<!tpu.dma_semaphore, #tpu.memory_space<semaphore_mem>>
      %dma_start3A_58 = tpu.memref_slice %arg4[%mul3A_57] : memref<2031616xf32, #tpu.memory_space<hbm>> -> memref<31744xf32, #tpu.memory_space<hbm>>
      %dma_start3A_59 = tpu.memref_slice %arg4[%mul3A_57] : memref<2031616xf32, #tpu.memory_space<hbm>> -> memref<31744xf32, #tpu.memory_space<hbm>>
      tpu.enqueue_dma source(%arg6 : memref<31744xf32, #tpu.memory_space<vmem>>) target(%dma_start3A_59 : memref<31744xf32, #tpu.memory_space<hbm>>) target_semaphore(%run_scoped3A : memref<!tpu.dma_semaphore, #tpu.memory_space<semaphore_mem>>)
      %dma_wait3A = tpu.memref_slice %arg4[%mul3A_57] : memref<2031616xf32, #tpu.memory_space<hbm>> -> memref<31744xf32, #tpu.memory_space<hbm>>
      %dma_wait3A_60 = tpu.memref_slice %arg4[%mul3A_57] : memref<2031616xf32, #tpu.memory_space<hbm>> -> memref<31744xf32, #tpu.memory_space<hbm>>
      tpu.wait_dma2 semaphore(%run_scoped3A : memref<!tpu.dma_semaphore, #tpu.memory_space<semaphore_mem>>) src(%arg6 : memref<31744xf32, #tpu.memory_space<vmem>>) dst(%dma_wait3A_60 : memref<31744xf32, #tpu.memory_space<hbm>>)
      tpu.yield
    }) : () -> ()
    return
  }
}

module attributes {stable_mosaic.version = 14 : i64} {
  func.func @body(%arg0: i32, %arg1: memref<64x8xf32, #tpu.memory_space<vmem>>, %arg2: memref<8x1024xf32, #tpu.memory_space<vmem>>, %arg3: memref<64x1024xf32, #tpu.memory_space<vmem>>) attributes {dimension_semantics = [#tpu.dimension_semantics<arbitrary>], iteration_bounds = array<i64: 31>, scalar_prefetch = 0 : i64, scratch_operands = 0 : i64, tpu.core_type = #tpu.core_type<tc>, window_params = [{pipeline_mode = #tpu.pipeline_mode<synchronous>, transform_indices = @transform_0, window_bounds = array<i64: 64, 8>}, {transform_indices = @transform_1, window_bounds = array<i64: 8, 1024>}, {transform_indices = @transform_2, window_bounds = array<i64: 64, 1024>}]} {
    %get3A = arith.constant 0 : index
    %get3A_0 = arith.constant 0 : index
    %get3A_1 = vector.load %arg1[%get3A, %get3A_0] : memref<64x8xf32, #tpu.memory_space<vmem>>, vector<64x8xf32>
    %get3A_2 = arith.constant 0 : index
    %get3A_3 = arith.constant 0 : index
    %get3A_4 = vector.load %arg2[%get3A_2, %get3A_3] : memref<8x1024xf32, #tpu.memory_space<vmem>>, vector<8x1024xf32>
    %dot_general3A = arith.constant dense<0.000000e+00> : vector<64x1024xf32>
    %dot_general3A_5 = tpu.matmul %get3A_1, %get3A_4, %dot_general3A {dimension_numbers = #tpu.dot_dimension_numbers<[1], [0], [0], [1], [0, 0, 1, 1], [], []>, transpose_lhs_hint = false} : vector<64x8xf32>, vector<8x1024xf32>, vector<64x1024xf32> -> vector<64x1024xf32>
    %max3A = arith.constant 0.000000e+00 : f32
    %max3A_6 = vector.broadcast %max3A : f32 to vector<64x1024xf32>
    %max3A_7 = arith.maximumf %dot_general3A_5, %max3A_6 : vector<64x1024xf32>
    %swap3A = arith.constant 0 : index
    %swap3A_8 = arith.constant 0 : index
    %swap3A_9 = vector.load %arg3[%swap3A, %swap3A_8] : memref<64x1024xf32, #tpu.memory_space<vmem>>, vector<64x1024xf32>
    tpu.vector_store %arg3[%swap3A, %swap3A_8], %max3A_7 {strides = array<i32>} : memref<64x1024xf32, #tpu.memory_space<vmem>>, vector<64x1024xf32>,
    return
  }
  func.func @transform_0(%arg0: i32) -> (i32, i32) {
    %c0_i32 = arith.constant 0 : i32
    %c0_i32_0 = arith.constant 0 : i32
    %c0_i32_1 = arith.constant 0 : i32
    return %c0_i32, %c0_i32_0 : i32, i32
  }
  func.func @transform_1(%arg0: i32) -> (i32, i32) {
    %c0_i32 = arith.constant 0 : i32
    %c0_i32_0 = arith.constant 0 : i32
    return %c0_i32, %arg0 : i32, i32
  }
  func.func @transform_2(%arg0: i32) -> (i32, i32) {
    %c0_i32 = arith.constant 0 : i32
    %c0_i32_0 = arith.constant 0 : i32
    return %c0_i32, %arg0 : i32, i32
  }
}

module attributes {stable_mosaic.version = 14 : i64} {
  func.func @body(%arg0: i32, %arg1: memref<64x1024xf32, #tpu.memory_space<vmem>>, %arg2: memref<32x1x1024xf32, #tpu.memory_space<vmem>>, %arg3: memref<64x1024xf32, #tpu.memory_space<vmem>>, %arg4: memref<1x1024xf32, #tpu.memory_space<vmem>>) attributes {dimension_semantics = [#tpu.dimension_semantics<arbitrary>], iteration_bounds = array<i64: 31>, scalar_prefetch = 0 : i64, scratch_operands = 0 : i64, tpu.core_type = #tpu.core_type<tc>, window_params = [{transform_indices = @transform_0, window_bounds = array<i64: 64, 1024>}, {transform_indices = @transform_1, window_bounds = array<i64: 32, 1, 1024>}, {transform_indices = @transform_2, window_bounds = array<i64: 64, 1024>}, {transform_indices = @transform_3, window_bounds = array<i64: 1, 1024>}]} {
    %get3A = arith.constant 0 : index
    %get3A_0 = arith.constant 0 : index
    %get3A_1 = arith.constant 0 : index
    %get3A_2 = vector.load %arg2[%get3A, %get3A_0, %get3A_1] : memref<32x1x1024xf32, #tpu.memory_space<vmem>>, vector<32x1x1024xf32>
    %reduce_sum3A = arith.constant dense<0.000000e+00> : vector<1x1024xf32>
    %reduce_sum3A_3 = vector.multi_reduction <add>, %get3A_2, %reduce_sum3A [0] : vector<32x1x1024xf32> to vector<1x1024xf32>
    %max3A = arith.constant 1.000000e+00 : f32
    %max3A_4 = vector.broadcast %max3A : f32 to vector<1x1024xf32>
    %max3A_5 = arith.maximumf %reduce_sum3A_3, %max3A_4 : vector<1x1024xf32>
    %rsqrt3A = math.rsqrt %max3A_5 : vector<1x1024xf32>
    %swap3A = arith.constant 0 : index
    %swap3A_6 = arith.constant 0 : index
    %swap3A_7 = vector.load %arg4[%swap3A, %swap3A_6] : memref<1x1024xf32, #tpu.memory_space<vmem>>, vector<1x1024xf32>
    tpu.vector_store %arg4[%swap3A, %swap3A_6], %rsqrt3A {strides = array<i32>} : memref<1x1024xf32, #tpu.memory_space<vmem>>, vector<1x1024xf32>,
    %get3A_8 = arith.constant 0 : index
    %get3A_9 = arith.constant 0 : index
    %get3A_10 = vector.load %arg1[%get3A_8, %get3A_9] : memref<64x1024xf32, #tpu.memory_space<vmem>>, vector<64x1024xf32>
    %mul3A = vector.broadcast %rsqrt3A : vector<1x1024xf32> to vector<64x1024xf32>
    %mul3A_11 = arith.mulf %get3A_10, %mul3A : vector<64x1024xf32>
    %swap3A_12 = arith.constant 0 : index
    %swap3A_13 = arith.constant 0 : index
    %swap3A_14 = vector.load %arg3[%swap3A_12, %swap3A_13] : memref<64x1024xf32, #tpu.memory_space<vmem>>, vector<64x1024xf32>
    tpu.vector_store %arg3[%swap3A_12, %swap3A_13], %mul3A_11 {strides = array<i32>} : memref<64x1024xf32, #tpu.memory_space<vmem>>, vector<64x1024xf32>,
    return
  }
  func.func @transform_0(%arg0: i32) -> (i32, i32) {
    %c0_i32 = arith.constant 0 : i32
    %c0_i32_0 = arith.constant 0 : i32
    return %c0_i32, %arg0 : i32, i32
  }
  func.func @transform_1(%arg0: i32) -> (i32, i32, i32) {
    %c0_i32 = arith.constant 0 : i32
    %c0_i32_0 = arith.constant 0 : i32
    %c0_i32_1 = arith.constant 0 : i32
    return %c0_i32, %c0_i32_0, %arg0 : i32, i32, i32
  }
  func.func @transform_2(%arg0: i32) -> (i32, i32) {
    %c0_i32 = arith.constant 0 : i32
    %c0_i32_0 = arith.constant 0 : i32
    return %c0_i32, %arg0 : i32, i32
  }
  func.func @transform_3(%arg0: i32) -> (i32, i32) {
    %c0_i32 = arith.constant 0 : i32
    %c0_i32_0 = arith.constant 0 : i32
    return %c0_i32, %arg0 : i32, i32
  }
}

module attributes {stable_mosaic.version = 14 : i64} {
  func.func @body(%arg0: i32, %arg1: memref<64x1024xf32, #tpu.memory_space<vmem>>, %arg2: memref<1x1024xf32, #tpu.memory_space<vmem>>, %arg3: memref<64x1024xf32, #tpu.memory_space<vmem>>, %arg4: memref<64x1024xf32, #tpu.memory_space<vmem>>) attributes {dimension_semantics = [#tpu.dimension_semantics<arbitrary>], iteration_bounds = array<i64: 31>, scalar_prefetch = 0 : i64, scratch_operands = 0 : i64, tpu.core_type = #tpu.core_type<tc>, window_params = [{transform_indices = @transform_0, window_bounds = array<i64: 64, 1024>}, {transform_indices = @transform_1, window_bounds = array<i64: 1, 1024>}, {transform_indices = @transform_2, window_bounds = array<i64: 64, 1024>}, {transform_indices = @transform_3, window_bounds = array<i64: 64, 1024>}]} {
    %get3A = arith.constant 0 : index
    %get3A_0 = arith.constant 0 : index
    %get3A_1 = vector.load %arg1[%get3A, %get3A_0] : memref<64x1024xf32, #tpu.memory_space<vmem>>, vector<64x1024xf32>
    %get3A_2 = arith.constant 0 : index
    %get3A_3 = arith.constant 0 : index
    %get3A_4 = vector.load %arg2[%get3A_2, %get3A_3] : memref<1x1024xf32, #tpu.memory_space<vmem>>, vector<1x1024xf32>
    %mul3A = vector.broadcast %get3A_4 : vector<1x1024xf32> to vector<64x1024xf32>
    %mul3A_5 = arith.mulf %get3A_1, %mul3A : vector<64x1024xf32>
    %neg3A = arith.constant 0.000000e+00 : f32
    %neg3A_6 = vector.broadcast %neg3A : f32 to vector<64x1024xf32>
    %neg3A_7 = arith.subf %neg3A_6, %mul3A_5 : vector<64x1024xf32>
    %swap3A = arith.constant 0 : index
    %swap3A_8 = arith.constant 0 : index
    %swap3A_9 = vector.load %arg3[%swap3A, %swap3A_8] : memref<64x1024xf32, #tpu.memory_space<vmem>>, vector<64x1024xf32>
    tpu.vector_store %arg3[%swap3A, %swap3A_8], %neg3A_7 {strides = array<i32>} : memref<64x1024xf32, #tpu.memory_space<vmem>>, vector<64x1024xf32>,
    %get3A_10 = arith.constant 0 : index
    %get3A_11 = arith.constant 0 : index
    %get3A_12 = vector.load %arg2[%get3A_10, %get3A_11] : memref<1x1024xf32, #tpu.memory_space<vmem>>, vector<1x1024xf32>
    %mul3A_13 = vector.broadcast %get3A_12 : vector<1x1024xf32> to vector<64x1024xf32>
    %mul3A_14 = arith.mulf %neg3A_7, %mul3A_13 : vector<64x1024xf32>
    %swap3A_15 = arith.constant 0 : index
    %swap3A_16 = arith.constant 0 : index
    %swap3A_17 = vector.load %arg4[%swap3A_15, %swap3A_16] : memref<64x1024xf32, #tpu.memory_space<vmem>>, vector<64x1024xf32>
    tpu.vector_store %arg4[%swap3A_15, %swap3A_16], %mul3A_14 {strides = array<i32>} : memref<64x1024xf32, #tpu.memory_space<vmem>>, vector<64x1024xf32>,
    return
  }
  func.func @transform_0(%arg0: i32) -> (i32, i32) {
    %c0_i32 = arith.constant 0 : i32
    %c0_i32_0 = arith.constant 0 : i32
    return %c0_i32, %arg0 : i32, i32
  }
  func.func @transform_1(%arg0: i32) -> (i32, i32) {
    %c0_i32 = arith.constant 0 : i32
    %c0_i32_0 = arith.constant 0 : i32
    return %c0_i32, %arg0 : i32, i32
  }
  func.func @transform_2(%arg0: i32) -> (i32, i32) {
    %c0_i32 = arith.constant 0 : i32
    %c0_i32_0 = arith.constant 0 : i32
    return %c0_i32, %arg0 : i32, i32
  }
  func.func @transform_3(%arg0: i32) -> (i32, i32) {
    %c0_i32 = arith.constant 0 : i32
    %c0_i32_0 = arith.constant 0 : i32
    return %c0_i32, %arg0 : i32, i32
  }
}

module attributes {stable_mosaic.version = 14 : i64} {
  func.func @body(%arg0: i32, %arg1: memref<64x1024xf32, #tpu.memory_space<vmem>>, %arg2: memref<1x1024xf32, #tpu.memory_space<vmem>>, %arg3: memref<64x1024xf32, #tpu.memory_space<vmem>>, %arg4: memref<64x1024xf32, #tpu.memory_space<vmem>>, %arg5: memref<64x64xf32, #tpu.memory_space<vmem>>, %arg6: memref<64x64xf32, #tpu.memory_space<vmem>>, %arg7: memref<64x64xf32, #tpu.memory_space<vmem>>, %arg8: memref<64x1xf32, #tpu.memory_space<vmem>>, %arg9: memref<64x1024xf32, #tpu.memory_space<vmem>>) attributes {dimension_semantics = [#tpu.dimension_semantics<arbitrary>], iteration_bounds = array<i64: 31>, scalar_prefetch = 0 : i64, scratch_operands = 0 : i64, tpu.core_type = #tpu.core_type<tc>, window_params = [{transform_indices = @transform_0, window_bounds = array<i64: 64, 1024>}, {transform_indices = @transform_1, window_bounds = array<i64: 1, 1024>}, {transform_indices = @transform_2, window_bounds = array<i64: 64, 1024>}, {transform_indices = @transform_3, window_bounds = array<i64: 64, 1024>}, {pipeline_mode = #tpu.pipeline_mode<synchronous>, transform_indices = @transform_4, window_bounds = array<i64: 64, 64>}, {pipeline_mode = #tpu.pipeline_mode<synchronous>, transform_indices = @transform_5, window_bounds = array<i64: 64, 64>}, {pipeline_mode = #tpu.pipeline_mode<synchronous>, transform_indices = @transform_6, window_bounds = array<i64: 64, 64>}, {pipeline_mode = #tpu.pipeline_mode<synchronous>, transform_indices = @transform_7, window_bounds = array<i64: 64, 1>}, {transform_indices = @transform_8, window_bounds = array<i64: 64, 1024>}]} {
    %get3A = arith.constant 0 : index
    %get3A_0 = arith.constant 0 : index
    %get3A_1 = vector.load %arg3[%get3A, %get3A_0] : memref<64x1024xf32, #tpu.memory_space<vmem>>, vector<64x1024xf32>
    %get3A_2 = arith.constant 0 : index
    %get3A_3 = arith.constant 0 : index
    %get3A_4 = vector.load %arg4[%get3A_2, %get3A_3] : memref<64x1024xf32, #tpu.memory_space<vmem>>, vector<64x1024xf32>
    %get3A_5 = arith.constant 0 : index
    %get3A_6 = arith.constant 0 : index
    %get3A_7 = vector.load %arg1[%get3A_5, %get3A_6] : memref<64x1024xf32, #tpu.memory_space<vmem>>, vector<64x1024xf32>
    %get3A_8 = arith.constant 0 : index
    %get3A_9 = arith.constant 0 : index
    %get3A_10 = vector.load %arg2[%get3A_8, %get3A_9] : memref<1x1024xf32, #tpu.memory_space<vmem>>, vector<1x1024xf32>
    %mul3A = vector.broadcast %get3A_10 : vector<1x1024xf32> to vector<64x1024xf32>
    %mul3A_11 = arith.mulf %get3A_7, %mul3A : vector<64x1024xf32>
    %mul3A_12 = arith.constant -2.000000e+00 : f32
    %mul3A_13 = vector.broadcast %mul3A_12 : f32 to vector<64x1024xf32>
    %mul3A_14 = arith.mulf %mul3A_13, %mul3A_11 : vector<64x1024xf32>
    %sub3A = arith.subf %mul3A_14, %get3A_1 : vector<64x1024xf32>
    %get3A_15 = arith.constant 0 : index
    %get3A_16 = arith.constant 0 : index
    %get3A_17 = vector.load %arg5[%get3A_15, %get3A_16] : memref<64x64xf32, #tpu.memory_space<vmem>>, vector<64x64xf32>
    %dot_general3A = arith.constant dense<0.000000e+00> : vector<64x1024xf32>
    %dot_general3A_18 = tpu.matmul %get3A_17, %get3A_1, %dot_general3A {dimension_numbers = #tpu.dot_dimension_numbers<[1], [0], [0], [1], [0, 0, 1, 1], [], []>, transpose_lhs_hint = false} : vector<64x64xf32>, vector<64x1024xf32>, vector<64x1024xf32> -> vector<64x1024xf32>
    %get3A_19 = arith.constant 0 : index
    %get3A_20 = arith.constant 0 : index
    %get3A_21 = vector.load %arg6[%get3A_19, %get3A_20] : memref<64x64xf32, #tpu.memory_space<vmem>>, vector<64x64xf32>
    %dot_general3A_22 = arith.constant dense<0.000000e+00> : vector<64x1024xf32>
    %dot_general3A_23 = tpu.matmul %get3A_21, %get3A_4, %dot_general3A_22 {dimension_numbers = #tpu.dot_dimension_numbers<[1], [0], [0], [1], [0, 0, 1, 1], [], []>, transpose_lhs_hint = false} : vector<64x64xf32>, vector<64x1024xf32>, vector<64x1024xf32> -> vector<64x1024xf32>
    %add3A = arith.addf %dot_general3A_18, %dot_general3A_23 : vector<64x1024xf32>
    %get3A_24 = arith.constant 0 : index
    %get3A_25 = arith.constant 0 : index
    %get3A_26 = vector.load %arg7[%get3A_24, %get3A_25] : memref<64x64xf32, #tpu.memory_space<vmem>>, vector<64x64xf32>
    %dot_general3A_27 = arith.constant dense<0.000000e+00> : vector<64x1024xf32>
    %dot_general3A_28 = tpu.matmul %get3A_26, %sub3A, %dot_general3A_27 {dimension_numbers = #tpu.dot_dimension_numbers<[1], [0], [0], [1], [0, 0, 1, 1], [], []>, transpose_lhs_hint = false} : vector<64x64xf32>, vector<64x1024xf32>, vector<64x1024xf32> -> vector<64x1024xf32>
    %add3A_29 = arith.addf %add3A, %dot_general3A_28 : vector<64x1024xf32>
    %get3A_30 = arith.constant 0 : index
    %get3A_31 = arith.constant 0 : index
    %get3A_32 = vector.load %arg8[%get3A_30, %get3A_31] : memref<64x1xf32, #tpu.memory_space<vmem>>, vector<64x1xf32>
    %add3A_33 = vector.broadcast %get3A_32 : vector<64x1xf32> to vector<64x1024xf32>
    %add3A_34 = arith.addf %add3A_29, %add3A_33 : vector<64x1024xf32>
    %max3A = arith.constant 0.000000e+00 : f32
    %max3A_35 = vector.broadcast %max3A : f32 to vector<64x1024xf32>
    %max3A_36 = arith.maximumf %add3A_34, %max3A_35 : vector<64x1024xf32>
    %swap3A = arith.constant 0 : index
    %swap3A_37 = arith.constant 0 : index
    %swap3A_38 = vector.load %arg9[%swap3A, %swap3A_37] : memref<64x1024xf32, #tpu.memory_space<vmem>>, vector<64x1024xf32>
    tpu.vector_store %arg9[%swap3A, %swap3A_37], %max3A_36 {strides = array<i32>} : memref<64x1024xf32, #tpu.memory_space<vmem>>, vector<64x1024xf32>,
    return
  }
  func.func @transform_0(%arg0: i32) -> (i32, i32) {
    %c0_i32 = arith.constant 0 : i32
    %c0_i32_0 = arith.constant 0 : i32
    return %c0_i32, %arg0 : i32, i32
  }
  func.func @transform_1(%arg0: i32) -> (i32, i32) {
    %c0_i32 = arith.constant 0 : i32
    %c0_i32_0 = arith.constant 0 : i32
    return %c0_i32, %arg0 : i32, i32
  }
  func.func @transform_2(%arg0: i32) -> (i32, i32) {
    %c0_i32 = arith.constant 0 : i32
    %c0_i32_0 = arith.constant 0 : i32
    return %c0_i32, %arg0 : i32, i32
  }
  func.func @transform_3(%arg0: i32) -> (i32, i32) {
    %c0_i32 = arith.constant 0 : i32
    %c0_i32_0 = arith.constant 0 : i32
    return %c0_i32, %arg0 : i32, i32
  }
  func.func @transform_4(%arg0: i32) -> (i32, i32) {
    %c0_i32 = arith.constant 0 : i32
    %c0_i32_0 = arith.constant 0 : i32
    %c0_i32_1 = arith.constant 0 : i32
    return %c0_i32, %c0_i32_0 : i32, i32
  }
  func.func @transform_5(%arg0: i32) -> (i32, i32) {
    %c0_i32 = arith.constant 0 : i32
    %c0_i32_0 = arith.constant 0 : i32
    %c0_i32_1 = arith.constant 0 : i32
    return %c0_i32, %c0_i32_0 : i32, i32
  }
  func.func @transform_6(%arg0: i32) -> (i32, i32) {
    %c0_i32 = arith.constant 0 : i32
    %c0_i32_0 = arith.constant 0 : i32
    %c0_i32_1 = arith.constant 0 : i32
    return %c0_i32, %c0_i32_0 : i32, i32
  }
  func.func @transform_7(%arg0: i32) -> (i32, i32) {
    %c0_i32 = arith.constant 0 : i32
    %c0_i32_0 = arith.constant 0 : i32
    %c0_i32_1 = arith.constant 0 : i32
    return %c0_i32, %c0_i32_0 : i32, i32
  }
  func.func @transform_8(%arg0: i32) -> (i32, i32) {
    %c0_i32 = arith.constant 0 : i32
    %c0_i32_0 = arith.constant 0 : i32
    return %c0_i32, %arg0 : i32, i32
  }
}

module attributes {stable_mosaic.version = 14 : i64} {
  func.func @body(%arg0: memref<512x3968xf32, #tpu.memory_space<vmem>>, %arg1: memref<3968x1024xf32, #tpu.memory_space<vmem>>, %arg2: memref<1x1024xf32, #tpu.memory_space<vmem>>, %arg3: memref<1x1024xf32, #tpu.memory_space<vmem>>, %arg4: memref<1x1024xf32, #tpu.memory_space<vmem>>, %arg5: memref<1024x512xf32, #tpu.memory_space<vmem>>, %arg6: memref<1x512xf32, #tpu.memory_space<vmem>>, %arg7: memref<1x512xf32, #tpu.memory_space<vmem>>, %arg8: memref<1x512xf32, #tpu.memory_space<vmem>>, %arg9: memref<512x128xf32, #tpu.memory_space<vmem>>, %arg10: memref<1x128xf32, #tpu.memory_space<vmem>>, %arg11: memref<512x1xi32, #tpu.memory_space<vmem>>, %arg12: memref<512x128xf32, #tpu.memory_space<vmem>>, %arg13: memref<1x1xf32, #tpu.memory_space<vmem>>) attributes {dimension_semantics = [], scalar_prefetch = 0 : i64, scratch_operands = 0 : i64, tpu.core_type = #tpu.core_type<tc>} {
    %get3A = arith.constant 0 : index
    %get3A_0 = arith.constant 0 : index
    %get3A_1 = vector.load %arg0[%get3A, %get3A_0] : memref<512x3968xf32, #tpu.memory_space<vmem>>, vector<512x3968xf32>
    %get3A_2 = arith.constant 0 : index
    %get3A_3 = arith.constant 0 : index
    %get3A_4 = vector.load %arg1[%get3A_2, %get3A_3] : memref<3968x1024xf32, #tpu.memory_space<vmem>>, vector<3968x1024xf32>
    %dot_general3A = arith.constant dense<0.000000e+00> : vector<512x1024xf32>
    %dot_general3A_5 = tpu.matmul %get3A_1, %get3A_4, %dot_general3A {dimension_numbers = #tpu.dot_dimension_numbers<[1], [0], [0], [1], [0, 0, 1, 1], [], []>, transpose_lhs_hint = false} : vector<512x3968xf32>, vector<3968x1024xf32>, vector<512x1024xf32> -> vector<512x1024xf32>
    %get3A_6 = arith.constant 0 : index
    %get3A_7 = arith.constant 0 : index
    %get3A_8 = vector.load %arg2[%get3A_6, %get3A_7] : memref<1x1024xf32, #tpu.memory_space<vmem>>, vector<1x1024xf32>
    %add3A = vector.broadcast %get3A_8 : vector<1x1024xf32> to vector<512x1024xf32>
    %add3A_9 = arith.addf %dot_general3A_5, %add3A : vector<512x1024xf32>
    %mul3A = arith.constant 0.999994993 : f32
    %mul3A_10 = vector.broadcast %mul3A : f32 to vector<512x1024xf32>
    %mul3A_11 = arith.mulf %add3A_9, %mul3A_10 : vector<512x1024xf32>
    %get3A_12 = arith.constant 0 : index
    %get3A_13 = arith.constant 0 : index
    %get3A_14 = vector.load %arg3[%get3A_12, %get3A_13] : memref<1x1024xf32, #tpu.memory_space<vmem>>, vector<1x1024xf32>
    %mul3A_15 = vector.broadcast %get3A_14 : vector<1x1024xf32> to vector<512x1024xf32>
    %mul3A_16 = arith.mulf %mul3A_11, %mul3A_15 : vector<512x1024xf32>
    %get3A_17 = arith.constant 0 : index
    %get3A_18 = arith.constant 0 : index
    %get3A_19 = vector.load %arg4[%get3A_17, %get3A_18] : memref<1x1024xf32, #tpu.memory_space<vmem>>, vector<1x1024xf32>
    %add3A_20 = vector.broadcast %get3A_19 : vector<1x1024xf32> to vector<512x1024xf32>
    %add3A_21 = arith.addf %mul3A_16, %add3A_20 : vector<512x1024xf32>
    %max3A = arith.constant 0.000000e+00 : f32
    %max3A_22 = vector.broadcast %max3A : f32 to vector<512x1024xf32>
    %max3A_23 = arith.maximumf %add3A_21, %max3A_22 : vector<512x1024xf32>
    %get3A_24 = arith.constant 0 : index
    %get3A_25 = arith.constant 0 : index
    %get3A_26 = vector.load %arg5[%get3A_24, %get3A_25] : memref<1024x512xf32, #tpu.memory_space<vmem>>, vector<1024x512xf32>
    %dot_general3A_27 = arith.constant dense<0.000000e+00> : vector<512x512xf32>
    %dot_general3A_28 = tpu.matmul %max3A_23, %get3A_26, %dot_general3A_27 {dimension_numbers = #tpu.dot_dimension_numbers<[1], [0], [0], [1], [0, 0, 1, 1], [], []>, transpose_lhs_hint = false} : vector<512x1024xf32>, vector<1024x512xf32>, vector<512x512xf32> -> vector<512x512xf32>
    %get3A_29 = arith.constant 0 : index
    %get3A_30 = arith.constant 0 : index
    %get3A_31 = vector.load %arg6[%get3A_29, %get3A_30] : memref<1x512xf32, #tpu.memory_space<vmem>>, vector<1x512xf32>
    %add3A_32 = vector.broadcast %get3A_31 : vector<1x512xf32> to vector<512x512xf32>
    %add3A_33 = arith.addf %dot_general3A_28, %add3A_32 : vector<512x512xf32>
    %mul3A_34 = arith.constant 0.999994993 : f32
    %mul3A_35 = vector.broadcast %mul3A_34 : f32 to vector<512x512xf32>
    %mul3A_36 = arith.mulf %add3A_33, %mul3A_35 : vector<512x512xf32>
    %get3A_37 = arith.constant 0 : index
    %get3A_38 = arith.constant 0 : index
    %get3A_39 = vector.load %arg7[%get3A_37, %get3A_38] : memref<1x512xf32, #tpu.memory_space<vmem>>, vector<1x512xf32>
    %mul3A_40 = vector.broadcast %get3A_39 : vector<1x512xf32> to vector<512x512xf32>
    %mul3A_41 = arith.mulf %mul3A_36, %mul3A_40 : vector<512x512xf32>
    %get3A_42 = arith.constant 0 : index
    %get3A_43 = arith.constant 0 : index
    %get3A_44 = vector.load %arg8[%get3A_42, %get3A_43] : memref<1x512xf32, #tpu.memory_space<vmem>>, vector<1x512xf32>
    %add3A_45 = vector.broadcast %get3A_44 : vector<1x512xf32> to vector<512x512xf32>
    %add3A_46 = arith.addf %mul3A_41, %add3A_45 : vector<512x512xf32>
    %max3A_47 = arith.constant 0.000000e+00 : f32
    %max3A_48 = vector.broadcast %max3A_47 : f32 to vector<512x512xf32>
    %max3A_49 = arith.maximumf %add3A_46, %max3A_48 : vector<512x512xf32>
    %get3A_50 = arith.constant 0 : index
    %get3A_51 = arith.constant 0 : index
    %get3A_52 = vector.load %arg9[%get3A_50, %get3A_51] : memref<512x128xf32, #tpu.memory_space<vmem>>, vector<512x128xf32>
    %dot_general3A_53 = arith.constant dense<0.000000e+00> : vector<512x128xf32>
    %dot_general3A_54 = tpu.matmul %max3A_49, %get3A_52, %dot_general3A_53 {dimension_numbers = #tpu.dot_dimension_numbers<[1], [0], [0], [1], [0, 0, 1, 1], [], []>, transpose_lhs_hint = false} : vector<512x512xf32>, vector<512x128xf32>, vector<512x128xf32> -> vector<512x128xf32>
    %get3A_55 = arith.constant 0 : index
    %get3A_56 = arith.constant 0 : index
    %get3A_57 = vector.load %arg10[%get3A_55, %get3A_56] : memref<1x128xf32, #tpu.memory_space<vmem>>, vector<1x128xf32>
    %add3A_58 = vector.broadcast %get3A_57 : vector<1x128xf32> to vector<512x128xf32>
    %add3A_59 = arith.addf %dot_general3A_54, %add3A_58 : vector<512x128xf32>
    %iota3A = tpu.iota {dimensions = array<i32: 1>} : vector<512x128xi32>
    %lt3A = arith.constant 3 : i32
    %lt3A_60 = vector.broadcast %lt3A : i32 to vector<512x128xi32>
    %lt3A_61 = arith.cmpi slt, %iota3A, %lt3A_60 : vector<512x128xi32>
    %jit3A = arith.constant -1.000000e+30 : f32
    %broadcast_in_dim3A = vector.broadcast %jit3A : f32 to vector<512x128xf32>
    %select_n3A = arith.select %lt3A_61, %add3A_59, %broadcast_in_dim3A : vector<512x128xi1>, vector<512x128xf32>
    %reduce_max3A = arith.constant dense<0xFF800000> : vector<512xf32>
    %reduce_max3A_62 = vector.multi_reduction <maximumf>, %select_n3A, %reduce_max3A [1] : vector<512x128xf32> to vector<512xf32>
    %broadcast_in_dim3A_63 = vector.shape_cast %reduce_max3A_62 : vector<512xf32> to vector<512x1xf32>
    %sub3A = vector.broadcast %broadcast_in_dim3A_63 : vector<512x1xf32> to vector<512x128xf32>
    %sub3A_64 = arith.subf %add3A_59, %sub3A : vector<512x128xf32>
    %exp3A = math.exp %sub3A_64 : vector<512x128xf32>
    %jit3A_65 = arith.constant 0.000000e+00 : f32
    %broadcast_in_dim3A_66 = vector.broadcast %jit3A_65 : f32 to vector<512x128xf32>
    %select_n3A_67 = arith.select %lt3A_61, %exp3A, %broadcast_in_dim3A_66 : vector<512x128xi1>, vector<512x128xf32>
    %reduce_sum3A = arith.constant dense<0.000000e+00> : vector<512xf32>
    %reduce_sum3A_68 = vector.multi_reduction <add>, %select_n3A_67, %reduce_sum3A [1] : vector<512x128xf32> to vector<512xf32>
    %broadcast_in_dim3A_69 = vector.shape_cast %reduce_sum3A_68 : vector<512xf32> to vector<512x1xf32>
    %log3A = math.log %broadcast_in_dim3A_69 : vector<512x1xf32>
    %sub3A_70 = vector.broadcast %broadcast_in_dim3A_63 : vector<512x1xf32> to vector<512x128xf32>
    %sub3A_71 = arith.subf %add3A_59, %sub3A_70 : vector<512x128xf32>
    %sub3A_72 = vector.broadcast %log3A : vector<512x1xf32> to vector<512x128xf32>
    %sub3A_73 = arith.subf %sub3A_71, %sub3A_72 : vector<512x128xf32>
    %get3A_74 = arith.constant 0 : index
    %get3A_75 = arith.constant 0 : index
    %get3A_76 = vector.load %arg11[%get3A_74, %get3A_75] : memref<512x1xi32, #tpu.memory_space<vmem>>, vector<512x1xi32>
    %eq3A = vector.broadcast %get3A_76 : vector<512x1xi32> to vector<512x128xi32>
    %eq3A_77 = arith.cmpi eq, %iota3A, %eq3A : vector<512x128xi32>
    %and3A = arith.andi %eq3A_77, %lt3A_61 : vector<512x128xi1>
    %jit3A_78 = arith.constant 0.000000e+00 : f32
    %broadcast_in_dim3A_79 = vector.broadcast %jit3A_78 : f32 to vector<512x128xf32>
    %select_n3A_80 = arith.select %and3A, %sub3A_73, %broadcast_in_dim3A_79 : vector<512x128xi1>, vector<512x128xf32>
    %reduce_sum3A_81 = arith.constant dense<0.000000e+00> : vector<512xf32>
    %reduce_sum3A_82 = vector.multi_reduction <add>, %select_n3A_80, %reduce_sum3A_81 [1] : vector<512x128xf32> to vector<512xf32>
    %broadcast_in_dim3A_83 = vector.shape_cast %reduce_sum3A_82 : vector<512xf32> to vector<512x1xf32>
    %swap3A = arith.constant 0 : index
    %swap3A_84 = arith.constant 0 : index
    %swap3A_85 = vector.load %arg12[%swap3A, %swap3A_84] : memref<512x128xf32, #tpu.memory_space<vmem>>, vector<512x128xf32>
    tpu.vector_store %arg12[%swap3A, %swap3A_84], %add3A_59 {strides = array<i32>} : memref<512x128xf32, #tpu.memory_space<vmem>>, vector<512x128xf32>,
    %reduce_sum3A_86 = vector.shape_cast %broadcast_in_dim3A_83 : vector<512x1xf32> to vector<1x512x1xf32>
    %reduce_sum3A_87 = arith.constant dense<0.000000e+00> : vector<1xf32>
    %reduce_sum3A_88 = vector.multi_reduction <add>, %reduce_sum3A_86, %reduce_sum3A_87 [1, 2] : vector<1x512x1xf32> to vector<1xf32>
    %reduce_sum3A_89 = vector.shape_cast %reduce_sum3A_88 : vector<1xf32> to vector<1x1x1xf32>
    %reduce_sum3A_90 = vector.extract %reduce_sum3A_89[0, 0, 0] : f32 from vector<1x1x1xf32>
    %div3A = arith.constant 5.120000e+02 : f32
    %div3A_91 = arith.divf %reduce_sum3A_90, %div3A : f32
    %neg3A = arith.constant 0.000000e+00 : f32
    %neg3A_92 = arith.subf %neg3A, %div3A_91 : f32
    %reshape3A = vector.broadcast %neg3A_92 : f32 to vector<1x1xf32>
    %swap3A_93 = arith.constant 0 : index
    %swap3A_94 = arith.constant 0 : index
    %swap3A_95 = vector.load %arg13[%swap3A_93, %swap3A_94] : memref<1x1xf32, #tpu.memory_space<vmem>>, vector<1x1xf32>
    tpu.vector_store %arg13[%swap3A_93, %swap3A_94], %reshape3A {strides = array<i32>} : memref<1x1xf32, #tpu.memory_space<vmem>>, vector<1x1xf32>,
    return
  }
}

</mosaic_0001>

<sc_bundles>
// kernel: kernel.10.cloned.1.call-start
scs
__scs_entry_jumppad:
0x0: {  	(pc) =	sbr.rel $0x88, $3  }
0x1: {  	(tag) =	ssettag $0x0;
	lr =	simm.s32 $0x1  }
0x2: {  	[smem:$0x3F91] =	sst lr;
	_ =	strace $0xD0000000  }
0x3: {  	_ = 	snop  }
0x4: {  	_ = 	snop  }
0x5: {  	_ = 	snop  }
0x6: {  	_ = 	snop  }
0x7: {  	_ = 	snop  }
__scs_overlays_trampoline_lowered:
0x8: {  	[smem:$0x3FA0] =	sst s0  }
0x9: {  	[smem:$0x3FA1] =	sst s1  }
0xa: {  	[smem:$0x3FA2] =	sst s2  }
0xb: {  	[smem:$0x3FA3] =	sst s3  }
0xc: {  	[smem:$0x3FA4] =	sst s4  }
0xd: {  	[smem:$0x3FA5] =	sst s5  }
0xe: {  	[smem:$0x3FA6] =	sst s6  }
0xf: {  	[smem:$0x3FA7] =	sst s7  }
0x10: {  	[smem:$0x3FA8] =	sst s8  }
0x11: {  	[smem:$0x3FA9] =	sst s9;
	s0 =	simm.s32 @!p0 $0x0  }
0x12: {  	s1 =	sld [smem:$0x3F8F];
	s0 =	simm.s32 @p0 $0x1  }
0x13: {  	[smem:$0x3FAA] =	sst s0;
	s0 =	simm.s32 @!p1 $0x0  }
0x14: {  	s2 =	sld [smem:$0x3F8E];
	s0 =	simm.s32 @p1 $0x1  }
0x15: {  	[smem:$0x3FAB] =	sst s0;
	s0 =	simm.s32 @!p2 $0x0  }
0x16: {  	s3 =	sld [smem:$0x3FDB];
	s0 =	simm.s32 @p2 $0x1  }
0x17: {  	s4 =	simm.s32 $0x1BF5;
	[smem:$0x3FAD] =	sst s0  }
0x18: {  	s0 =	sld [smem:$0x3F90];
	_ =	swait.ge [sflag:s4], $0x0  }
0x19: {  	s7 =	sld [smem:$0x3F91]  }
0x1a: {  	s8 =	sadd.s32 $0xFFFFE003, lr  }
0x1b: {  	s9 =	sadd.s32 $0xFFFFFEF7, lr;
	s5 =	simm.s32 $0xFFFFFFFF;
	p2 =	slt.u32 s8, $0xFFFFF086  }
0x1c: {  	p1 =	slt.u32 s9, $0xF7A;
	s5 =	simm.s32 @!p2 $0x0  }
0x1d: {  	s5 =	simm.s32 @p1 $0x1;
	p0 =	seq.s32 s7, s2  }
0x1e: {  	s7 =	smul.u32 @!p0 $0xF7A, s2;
	p2 =	seq.s32 @!p0 s5, $0x0  }
0x1f: {  	s9 =	smul.u32 $0xF7A, s1;
	s8 =	simm.s32 @!p0 $0x1BF5;
	p2 =	por !p2, p0  }
0x20: {  	[sflag:s8] =	ssyncset.s32 @!p0 $0xFFFFF086;
	s6 =	sadd.s32 @!p0 s3, s7;
	s7 =	simm.s32 @!p0 $0x108  }
0x21: {  	s3 =	sadd.s32 s3, s9;
	s6 =	sadd.s32 @!p0 $0x88, s6;
	s7 =	simm.s32 @p2 $0x1082  }
0x22: {  	[simem:s7], [sflag:s8] =	dma.local @!p0 [hbm:s6], $0xF7A  }
0x23: {  	s9 =	sor.u32 $0xD0000000, s2;
	s6 =	simm.s32 $0x108;
	_ =	swait.ge @!p0 [sflag:s8], $0x0  }
0x24: {  	s3 =	sadd.s32 $0x88, s3;
	s6 =	simm.s32 @!p1 $0x1082;
	[sflag:s4] =	ssyncset.s32 $0xFFFFF086  }
0x25: {  	[simem:s6], [sflag:s4] =	dma.local [hbm:s3], $0xF7A  }
0x26: {  	[smem:$0x3F91] =	sst s1;
	(tag) =	ssettag s2;
	_ =	strace s9  }
0x27: {  	s1 =	sld [smem:$0x3FA1]  }
0x28: {  	s2 =	sld [smem:$0x3FA2]  }
0x29: {  	s4 =	sld [smem:$0x3FA4]  }
0x2a: {  	p0 =	seq.s32 s5, $0x0;
	s5 =	sld [smem:$0x3FA5]  }
0x2b: {  	s6 =	sld [smem:$0x3FA6]  }
0x2c: {  	s7 =	sld [smem:$0x3FA7]  }
0x2d: {  	s3 =	simm.s32 $0x108;
	s8 =	sld [smem:$0x3FA8]  }
0x2e: {  	s3 =	simm.s32 @!p0 $0x1082;
	s9 =	sld [smem:$0x3FA9]  }
0x2f: {  	lr =	sadd.s32 s0, s3;
	s0 =	sld [smem:$0x3FA0]  }
0x30: {  	s3 =	sld [smem:$0x3FA3]  }
0x31: {  	[smem:$0x3FAC] =	sst s10  }
0x32: {  	s10 =	sld [smem:$0x3FAA];
	_ =	sdelay $0x3  }
0x33: {  	p0 =	seq.s32 s10, $0x1;
	s10 =	sld [smem:$0x3FAC];
	_ =	sdelay $0x3  }
0x34: {  	[smem:$0x3FAC] =	sst s10  }
0x35: {  	s10 =	sld [smem:$0x3FAB];
	_ =	sdelay $0x3  }
0x36: {  	p1 =	seq.s32 s10, $0x1;
	s10 =	sld [smem:$0x3FAC];
	_ =	sdelay $0x3  }
0x37: {  	[smem:$0x3FAC] =	sst s10  }
0x38: {  	s10 =	sld [smem:$0x3FAD]  }
0x39: {  	_ = 	snop;
	(pc) =	sbr.ind lr, $3  }
0x3a: {  	_ = 	snop  }
0x3b: {  	_ = 	snop  }
0x3c: {  	p2 =	seq.s32 s10, $0x1;
	s10 =	sld [smem:$0x3FAC]  }
0x3d: {  	_ =	shalt  }
0x3e: {  	_ =	shalt  }
0x3f: {  	_ =	shalt  }
0x40: {  	_ =	shalt  }
0x41: {  	_ =	shalt  }
0x42: {  	_ =	shalt  }
0x43: {  	_ =	shalt  }
0x44: {  	_ =	shalt  }
0x45: {  	_ =	shalt  }
0x46: {  	_ =	shalt  }
0x47: {  	_ =	shalt  }
0x48: {  	_ =	shalt  }
0x49: {  	_ =	shalt  }
0x4a: {  	_ =	shalt  }
0x4b: {  	_ =	shalt  }
0x4c: {  	_ =	shalt  }
0x4d: {  	_ =	shalt  }
0x4e: {  	_ =	shalt  }
0x4f: {  	_ =	shalt  }
0x50: {  	_ =	shalt  }
0x51: {  	_ =	shalt  }
0x52: {  	_ =	shalt  }
0x53: {  	_ =	shalt  }
0x54: {  	_ =	shalt  }
0x55: {  	_ =	shalt  }
0x56: {  	_ =	shalt  }
0x57: {  	_ =	shalt  }
0x58: {  	_ =	shalt  }
0x59: {  	_ =	shalt  }
0x5a: {  	_ =	shalt  }
0x5b: {  	_ =	shalt  }
0x5c: {  	_ =	shalt  }
0x5d: {  	_ =	shalt  }
0x5e: {  	_ =	shalt  }
0x5f: {  	_ =	shalt  }
0x60: {  	_ =	shalt  }
0x61: {  	_ =	shalt  }
0x62: {  	_ =	shalt  }
0x63: {  	_ =	shalt  }
0x64: {  	_ =	shalt  }
0x65: {  	_ =	shalt  }
0x66: {  	_ =	shalt  }
0x67: {  	_ =	shalt  }
0x68: {  	_ =	shalt  }
0x69: {  	_ =	shalt  }
0x6a: {  	_ =	shalt  }
0x6b: {  	_ =	shalt  }
0x6c: {  	_ =	shalt  }
0x6d: {  	_ =	shalt  }
0x6e: {  	_ =	shalt  }
0x6f: {  	_ =	shalt  }
0x70: {  	_ =	shalt  }
0x71: {  	_ =	shalt  }
0x72: {  	_ =	shalt  }
0x73: {  	_ =	shalt  }
0x74: {  	_ =	shalt  }
0x75: {  	_ =	shalt  }
0x76: {  	_ =	shalt  }
0x77: {  	_ =	shalt  }
0x78: {  	_ =	shalt  }
0x79: {  	_ =	shalt  }
0x7a: {  	_ =	shalt  }
0x7b: {  	_ =	shalt  }
0x7c: {  	_ =	shalt  }
0x7d: {  	_ =	shalt  }
0x7e: {  	_ =	shalt  }
0x7f: {  	_ =	shalt  }
0x80: {  	_ =	shalt  }
0x81: {  	_ =	shalt  }
0x82: {  	_ =	shalt  }
0x83: {  	_ =	shalt  }
0x84: {  	_ =	shalt  }
0x85: {  	_ =	shalt  }
0x86: {  	_ =	shalt  }
0x87: {  	_ =	shalt  }
.Lfunc_end0:
.L_simem_size_0:
called_computation_lowered:
.L_overlay_start_0:
0x88: {  	s2 =	sld [smem:$0x3FD9]  }
0x89: {  	s3 =	sld [smem:$0x3FFE];
	_ =	sdelay $0x1  }
0x8a: {  	s1 =	srdreg.scid  }
0x8b: {  	s0 =	sand.u32 $0x1, s1  }
0x8c: {  	s16 =	sshll.u32 s0, $0xA;
	s2 =	sadd.s32 s3, s2  }
0x8d: {  	s2 =	sadd.s32 s2, s16  }
0x8e: {  	[smem:$0x3FB8] =	sst s2  }
0x8f: {  	_ = 	snop  }
0x90: {  	(tm) =	ssettm $0x1  }
0x91: {  	s17 =	sld [smem:$0x3FFB];
	_ =	sdelay $0x3  }
0x92: {  	_ =	strace s17  }
0x93: {  	s2 =	sld [smem:$0x3FFC];
	_ =	sdelay $0x3  }
0x94: {  	_ =	strace s2  }
0x95: {  	s2 =	sld [smem:$0x3FFD];
	_ =	sdelay $0x3  }
0x96: {  	_ =	strace s2  }
0x97: {  	_ =	strace $0x8FFFFFFF  }
0x98: {  	s18 =	sld [smem:$0x3FDB];
	_ =	sdelay $0x1  }
0x99: {  	s19 =	simm.s32 $_scs_section_size  }
0x9a: {  	s4 =	simm.s32 $_size__tile_overlayer_lowered;
	s5 =	simm.s32 $_tile_overlayer_lowered  }
0x9b: {  	s22 =	simm.s32 $0x1BFF;
	s21 =	sshll.u32 s5, $0x1;
	s2 =	sadd.s32 s19, s18  }
0x9c: {  	s6 =	simm.s32 $0x0;
	s20 =	sshll.u32 s4, $0x1;
	s4 =	sadd.s32 s21, s2  }
0x9d: {  	[timem:s6], [sflag:s22] =	dma.local [hbm:s4], s20  }
0x9e: {  	_ =	swait.ge [sflag:s22], s20  }
0x9f: {  	s3 =	ssub.s32 $0x0, s20;
	[sflag:s22] =	ssyncset.done $0x0  }
0xa0: {  	[sflag:s22] =	ssyncadd.s32 s3;
	_ =	sdelay $0x1  }
0xa1: {  	s23 =	simm.s32 $0x1B8B  }
0xa2: {  	_ =	swait.ge [sflag:s23], $0x1  }
0xa3: {  	[sflag:s23] =	ssyncset.done $0x0  }
0xa4: {  	s25 =	simm.s32 $0x1B8E;
	s24 =	sld [smem:$0x3FFE];
	[sflag:s23] =	ssyncadd.s32 $0xFFFFFFFF  }
0xa5: {  	s26 =	simm.s32 $execute0_lowered;
	[smem:$0x3FD2] =	sst s25  }
0xa6: {  	s4 =	sshll.u32 s26, $0x1;
	_ =	strace $0x80000046;
	[dreg:$0x1] =	wrdreg $0xFFFFFFFF  }
0xa7: {  	s28 =	simm.s32 $_size_execute0_lowered;
	s2 =	sadd.s32 s2, s4;
	[dreg:$0x0] =	wrdreg $0x0  }
0xa8: {  	s4 =	sshll.u32 s28, $0x1;
	[dreg:$0x2] =	wrdreg s2  }
0xa9: {  	[dreg:$0x3] =	wrdreg s4  }
0xaa: {  	[dreg:$0x4] =	wrdreg $0xC0  }
0xab: {  	_ =	task [dreg:s6], $0x5FFFF  }
0xac: {  	[dreg:$0x1] =	wrdreg $0xFFFFFFFF  }
0xad: {  	[dreg:$0x0] =	wrdreg $0x60  }
0xae: {  	[dreg:$0x2] =	wrdreg s24  }
0xaf: {  	[dreg:$0x3] =	wrdreg $0x9  }
0xb0: {  	_ =	task.clear_ibuf [dreg:s6], $0x4FFFF;
	_ =	strace $0x90000046  }
0xb1: {  	s29 =	simm.s32 $0x9;
	_ =	strace $0x80000048  }
0xb2: {  	_ =	swait.ge [sflag:s29], $0x1  }
0xb3: {  	[sflag:s29] =	ssyncadd.s32 $0xFFFFFFFF  }
0xb4: {  	_ =	strace $0x90000048  }
0xb5: {  	_ =	sfence  }
0xb6: {  	s30 =	sld [smem:$0x0];
	_ =	sdelay $0x2  }
0xb7: {  	s31 =	sshll.u32 s1, $0xD;
	s1 =	sshrl.u32 s1, $0x2  }
0xb8: {  	s3 =	sand.u32 $0x4000, s31;
	s1 =	sadd.s32 s1, s30  }
0xb9: {  	s0 =	sor.u32 s3, s0;
	s1 =	sshll.u32 s1, $0x11  }
0xba: {  	s0 =	sor.u32 s1, s0  }
0xbb: {  	s0 =	sadd.s32 $0x8F2B, s0  }
0xbc: {  	[sflag:s0] =	ssyncadd.remote.s32 $0x1  }
0xbd: {  	_ =	sfence.sel $0xFFFF  }
0xbe: {  	[dreg:$0x0] =	wrdreg $0xFFFFFFFF;
	(pc) =	sbr.abs _section_cstart, $3  }
0xbf: {  	[dreg:$0x1] =	wrdreg $0xFFFFFFFF  }
0xc0: {  	_ =	task.clear_ibuf [dreg:s6], $0x2FFFF;
	_ =	strace $0x9FFFFFFF  }
0xc1: {  	(tm) =	ssettm $0x7FFFFFFF  }
tec
execute0_lowered:
.L_overlay_start_1:
0x0: {  	(tag) =	ssettag $0x1  }
0x1: {  	s1 =	srdreg.scid;
	s0 =	stileid.u32  }
0x2: {  	s4 =	sand.u32 $0x1, s1;
	s2 =	sshll.u32 s0, $0x1  }
0x3: {  	s3 =	rddreg [dreg:$0x0];
	s5 =	sor.u32 s4, s2  }
0x4: {  	s7 =	simm.s32 $0x1;
	s8 =	simm.s32 $0x0;
	s5 =	smul.u32 $0xF80, s5  }
0x5: {  	s1 =	rddreg [dreg:$0x1];
	s2 =	simm.s32 $0x0;
	s4 =	ssub.s32 $0x2, s4  }
0x6: {  	[smem:$0x7FF] =	sst s2;
	s6 =	sshrl.u32 s4, $0x1;
	s5 =	sadd.s32 s5, s3  }
0x7: {  	_ =	strace $0x80000047;
	s6 =	ssub.s32 s4, s6;
	s3 =	sadd.s32 $0x3A00, s5  }
0x8: {  	v0 =	vimm.f32 $0.0e+00;
	v1 =	vimm.f32 $1.000000000e+00;
	s4 =	sadd.s32 $0x22A00, s5;
	s5 =	smax.u32 s6, $0x1;
	s6 =	simm.s32 $0x7C00  }
.LBB2_1:
0x9: {  	s9 =	simm.s32 $0x40;
	s10 =	simm.s32 $0x0  }
.LBB2_2:
0xa: {  	p0 =	sne.s32 s9, $0x1EFC0;
	[tilespmem:s10+$0x0] =	vst v0;
	s10 =	smov.u32 s9;
	s9 =	sadd.s32 $0x40, s9  }
.Ltmp0:
0xb: {  	(pc) =	sbr.rel @p0 .LBB2_2-.Ltmp0, $2  }
0xc: {  	_ =	sdelay $0x2  }
0xd: {  	s10 =	sshra.s32 s10, $0x2  }
0xe: {  	[tilespmem:s10+$0x0] =	vst v0;
	s9 =	simm.s32 $0x0  }
0xf: {  	[tilespmem:s6], [sflag:$0x1] =	stream.linear.gather [hbm4b:s3+s9], $0x7C00, $0x38;
	[tilespmem:$0xF800] =	vst v63  }
0x10: {  	_ =	swait.ge [sflag:s7], $0x7C00  }
0x11: {  	[sflag:s7] =	ssyncset.done $0x0  }
0x12: {  	s10 =	simm.s32 $0x0;
	s9 =	simm.s32 $0x40;
	[sflag:s7] =	ssyncadd.s32 $0xFFFF8400  }
.LBB2_4:
0x13: {  	p0 =	sne.s32 s9, $0x1EFC0;
	v2 =	vld [tilespmem:s10+$0x7C00];
	_ =	sdelay $0x3  }
.Ltmp1:
0x14: {  	(pc) =	sbr.rel @p0 .LBB2_4-.Ltmp1, $2  }
0x15: {  	_ =	sdelay $0x2  }
0x16: {  	s10 =	sshra.s32 s9, $0x2;
	s9 =	sadd.s32 $0x40, s9;
	[tilespmem:v2+s2+$0x0] =	vst.idx.add.f32.msk $0xffff, v1  }
0x17: {  	v2 =	vld [tilespmem:s10+$0x7C00];
	_ =	sdelay $0x5  }
0x18: {  	s8 =	sadd.s32 $0x1, s8  }
0x19: {  	p0 =	sne.s32 s8, s5  }
.Ltmp2:
0x1a: {  	[tilespmem:v2+s2+$0x0] =	vst.idx.add.f32.msk $0xffff, v1;
	(pc) =	sbr.rel @p0 .LBB2_1-.Ltmp2, $4  }
0x1b: {  	[hbm4b:s4+s2] =	stream.linear.scatter [tilespmem:s2], [sflag:$0x1], $0x7C00, $0x38;
	[tilespmem:$0xF800] =	vst v63  }
0x1c: {  	_ =	swait.ge [sflag:s7], $0x7C00  }
0x1d: {  	[sflag:s7] =	ssyncset.done $0x0  }
0x1e: {  	[sflag:s7] =	ssyncadd.s32 $0xFFFF8400  }
0x1f: {  	_ =	sfence.sel $0x180000  }
0x20: {  	[bflag:$0x0] =	sbarrier.arrive $0xFFFF  }
0x21: {  	p0 =	sne.s32 s0, $0x0;
	_ =	strace $0x90000047  }
0x22: {  	s0 =	sadd.s32 @!p0 $0x100000, s1;
	[bflag:$0x2] =	sbarrier.arrive $0xFFFF  }
0x23: {  	[sflag:s0] =	ssyncadd.tile.s32 @!p0 $0x1;
	_ =	shalt  }
.Lfunc_end2:
_tile_overlayer_lowered:
.L_overlay_start_2:
0x24: {  	(tag) =	ssettag $0x2  }
0x25: {  	s0 =	rddreg [dreg:$0x0];
	s2 =	stileid.u32  }
0x26: {  	s1 =	rddreg [dreg:$0x1];
	p0 =	sne.s32 s2, $0x0  }
0x27: {  	s3 =	rddreg [dreg:$0x2];
	[bflag:$0x3] =	sbarrier.arrive $0xFFFF;
	s2 =	simm.s32 @!p0 $0x1C01  }
0x28: {  	[timem:s3], [sflag:s2] =	dma.local @!p0 [hbm:s0], s1  }
0x29: {  	s0 =	simm.s32 @!p0 $0x1  }
0x2a: {  	_ =	swait.ge @!p0 [sflag:s0], s1  }
0x2b: {  	s1 =	ssub.s32 @!p0 $0x0, s1;
	[sflag:s0] =	ssyncset.done @!p0 $0x0  }
0x2c: {  	[sflag:s0] =	ssyncadd.s32 @!p0 s1  }
0x2d: {  	[bflag:$0x3] =	sbarrier.arrive $0xFFFF  }
0x2e: {  	_ =	shalt  }

// kernel: kernel.13.cloned.1.call-start
scs
__scs_entry_jumppad:
0x0: {  	(pc) =	sbr.rel $0x88, $3  }
0x1: {  	(tag) =	ssettag $0x0;
	lr =	simm.s32 $0x1  }
0x2: {  	[smem:$0x3F91] =	sst lr;
	_ =	strace $0xD0000000  }
0x3: {  	_ = 	snop  }
0x4: {  	_ = 	snop  }
0x5: {  	_ = 	snop  }
0x6: {  	_ = 	snop  }
0x7: {  	_ = 	snop  }
__scs_overlays_trampoline_lowered:
0x8: {  	[smem:$0x3FA0] =	sst s0  }
0x9: {  	[smem:$0x3FA1] =	sst s1  }
0xa: {  	[smem:$0x3FA2] =	sst s2  }
0xb: {  	[smem:$0x3FA3] =	sst s3  }
0xc: {  	[smem:$0x3FA4] =	sst s4  }
0xd: {  	[smem:$0x3FA5] =	sst s5  }
0xe: {  	[smem:$0x3FA6] =	sst s6  }
0xf: {  	[smem:$0x3FA7] =	sst s7  }
0x10: {  	[smem:$0x3FA8] =	sst s8  }
0x11: {  	[smem:$0x3FA9] =	sst s9;
	s0 =	simm.s32 @!p0 $0x0  }
0x12: {  	s1 =	sld [smem:$0x3F8F];
	s0 =	simm.s32 @p0 $0x1  }
0x13: {  	[smem:$0x3FAA] =	sst s0;
	s0 =	simm.s32 @!p1 $0x0  }
0x14: {  	s2 =	sld [smem:$0x3F8E];
	s0 =	simm.s32 @p1 $0x1  }
0x15: {  	[smem:$0x3FAB] =	sst s0;
	s0 =	simm.s32 @!p2 $0x0  }
0x16: {  	s3 =	sld [smem:$0x3FDB];
	s0 =	simm.s32 @p2 $0x1  }
0x17: {  	s4 =	simm.s32 $0x1BF5;
	[smem:$0x3FAD] =	sst s0  }
0x18: {  	s0 =	sld [smem:$0x3F90];
	_ =	swait.ge [sflag:s4], $0x0  }
0x19: {  	s7 =	sld [smem:$0x3F91]  }
0x1a: {  	s8 =	sadd.s32 $0xFFFFE003, lr  }
0x1b: {  	s9 =	sadd.s32 $0xFFFFFEF7, lr;
	s5 =	simm.s32 $0xFFFFFFFF;
	p2 =	slt.u32 s8, $0xFFFFF086  }
0x1c: {  	p1 =	slt.u32 s9, $0xF7A;
	s5 =	simm.s32 @!p2 $0x0  }
0x1d: {  	s5 =	simm.s32 @p1 $0x1;
	p0 =	seq.s32 s7, s2  }
0x1e: {  	s7 =	smul.u32 @!p0 $0xF7A, s2;
	p2 =	seq.s32 @!p0 s5, $0x0  }
0x1f: {  	s9 =	smul.u32 $0xF7A, s1;
	s8 =	simm.s32 @!p0 $0x1BF5;
	p2 =	por !p2, p0  }
0x20: {  	[sflag:s8] =	ssyncset.s32 @!p0 $0xFFFFF086;
	s6 =	sadd.s32 @!p0 s3, s7;
	s7 =	simm.s32 @!p0 $0x108  }
0x21: {  	s3 =	sadd.s32 s3, s9;
	s6 =	sadd.s32 @!p0 $0x88, s6;
	s7 =	simm.s32 @p2 $0x1082  }
0x22: {  	[simem:s7], [sflag:s8] =	dma.local @!p0 [hbm:s6], $0xF7A  }
0x23: {  	s9 =	sor.u32 $0xD0000000, s2;
	s6 =	simm.s32 $0x108;
	_ =	swait.ge @!p0 [sflag:s8], $0x0  }
0x24: {  	s3 =	sadd.s32 $0x88, s3;
	s6 =	simm.s32 @!p1 $0x1082;
	[sflag:s4] =	ssyncset.s32 $0xFFFFF086  }
0x25: {  	[simem:s6], [sflag:s4] =	dma.local [hbm:s3], $0xF7A  }
0x26: {  	[smem:$0x3F91] =	sst s1;
	(tag) =	ssettag s2;
	_ =	strace s9  }
0x27: {  	s1 =	sld [smem:$0x3FA1]  }
0x28: {  	s2 =	sld [smem:$0x3FA2]  }
0x29: {  	s4 =	sld [smem:$0x3FA4]  }
0x2a: {  	p0 =	seq.s32 s5, $0x0;
	s5 =	sld [smem:$0x3FA5]  }
0x2b: {  	s6 =	sld [smem:$0x3FA6]  }
0x2c: {  	s7 =	sld [smem:$0x3FA7]  }
0x2d: {  	s3 =	simm.s32 $0x108;
	s8 =	sld [smem:$0x3FA8]  }
0x2e: {  	s3 =	simm.s32 @!p0 $0x1082;
	s9 =	sld [smem:$0x3FA9]  }
0x2f: {  	lr =	sadd.s32 s0, s3;
	s0 =	sld [smem:$0x3FA0]  }
0x30: {  	s3 =	sld [smem:$0x3FA3]  }
0x31: {  	[smem:$0x3FAC] =	sst s10  }
0x32: {  	s10 =	sld [smem:$0x3FAA];
	_ =	sdelay $0x3  }
0x33: {  	p0 =	seq.s32 s10, $0x1;
	s10 =	sld [smem:$0x3FAC];
	_ =	sdelay $0x3  }
0x34: {  	[smem:$0x3FAC] =	sst s10  }
0x35: {  	s10 =	sld [smem:$0x3FAB];
	_ =	sdelay $0x3  }
0x36: {  	p1 =	seq.s32 s10, $0x1;
	s10 =	sld [smem:$0x3FAC];
	_ =	sdelay $0x3  }
0x37: {  	[smem:$0x3FAC] =	sst s10  }
0x38: {  	s10 =	sld [smem:$0x3FAD]  }
0x39: {  	_ = 	snop;
	(pc) =	sbr.ind lr, $3  }
0x3a: {  	_ = 	snop  }
0x3b: {  	_ = 	snop  }
0x3c: {  	p2 =	seq.s32 s10, $0x1;
	s10 =	sld [smem:$0x3FAC]  }
0x3d: {  	_ =	shalt  }
0x3e: {  	_ =	shalt  }
0x3f: {  	_ =	shalt  }
0x40: {  	_ =	shalt  }
0x41: {  	_ =	shalt  }
0x42: {  	_ =	shalt  }
0x43: {  	_ =	shalt  }
0x44: {  	_ =	shalt  }
0x45: {  	_ =	shalt  }
0x46: {  	_ =	shalt  }
0x47: {  	_ =	shalt  }
0x48: {  	_ =	shalt  }
0x49: {  	_ =	shalt  }
0x4a: {  	_ =	shalt  }
0x4b: {  	_ =	shalt  }
0x4c: {  	_ =	shalt  }
0x4d: {  	_ =	shalt  }
0x4e: {  	_ =	shalt  }
0x4f: {  	_ =	shalt  }
0x50: {  	_ =	shalt  }
0x51: {  	_ =	shalt  }
0x52: {  	_ =	shalt  }
0x53: {  	_ =	shalt  }
0x54: {  	_ =	shalt  }
0x55: {  	_ =	shalt  }
0x56: {  	_ =	shalt  }
0x57: {  	_ =	shalt  }
0x58: {  	_ =	shalt  }
0x59: {  	_ =	shalt  }
0x5a: {  	_ =	shalt  }
0x5b: {  	_ =	shalt  }
0x5c: {  	_ =	shalt  }
0x5d: {  	_ =	shalt  }
0x5e: {  	_ =	shalt  }
0x5f: {  	_ =	shalt  }
0x60: {  	_ =	shalt  }
0x61: {  	_ =	shalt  }
0x62: {  	_ =	shalt  }
0x63: {  	_ =	shalt  }
0x64: {  	_ =	shalt  }
0x65: {  	_ =	shalt  }
0x66: {  	_ =	shalt  }
0x67: {  	_ =	shalt  }
0x68: {  	_ =	shalt  }
0x69: {  	_ =	shalt  }
0x6a: {  	_ =	shalt  }
0x6b: {  	_ =	shalt  }
0x6c: {  	_ =	shalt  }
0x6d: {  	_ =	shalt  }
0x6e: {  	_ =	shalt  }
0x6f: {  	_ =	shalt  }
0x70: {  	_ =	shalt  }
0x71: {  	_ =	shalt  }
0x72: {  	_ =	shalt  }
0x73: {  	_ =	shalt  }
0x74: {  	_ =	shalt  }
0x75: {  	_ =	shalt  }
0x76: {  	_ =	shalt  }
0x77: {  	_ =	shalt  }
0x78: {  	_ =	shalt  }
0x79: {  	_ =	shalt  }
0x7a: {  	_ =	shalt  }
0x7b: {  	_ =	shalt  }
0x7c: {  	_ =	shalt  }
0x7d: {  	_ =	shalt  }
0x7e: {  	_ =	shalt  }
0x7f: {  	_ =	shalt  }
0x80: {  	_ =	shalt  }
0x81: {  	_ =	shalt  }
0x82: {  	_ =	shalt  }
0x83: {  	_ =	shalt  }
0x84: {  	_ =	shalt  }
0x85: {  	_ =	shalt  }
0x86: {  	_ =	shalt  }
0x87: {  	_ =	shalt  }
.Lfunc_end0:
.L_simem_size_0:
called_computation.1_lowered:
.L_overlay_start_0:
0x88: {  	s2 =	sld [smem:$0x3FD9]  }
0x89: {  	s3 =	sld [smem:$0x3FFE];
	_ =	sdelay $0x1  }
0x8a: {  	s1 =	srdreg.scid  }
0x8b: {  	s0 =	sand.u32 $0x1, s1  }
0x8c: {  	s16 =	sshll.u32 s0, $0xA;
	s2 =	sadd.s32 s3, s2  }
0x8d: {  	s2 =	sadd.s32 s2, s16  }
0x8e: {  	[smem:$0x3FB8] =	sst s2  }
0x8f: {  	_ = 	snop  }
0x90: {  	(tm) =	ssettm $0x1  }
0x91: {  	s17 =	sld [smem:$0x3FFB];
	_ =	sdelay $0x3  }
0x92: {  	_ =	strace s17  }
0x93: {  	s2 =	sld [smem:$0x3FFC];
	_ =	sdelay $0x3  }
0x94: {  	_ =	strace s2  }
0x95: {  	s2 =	sld [smem:$0x3FFD];
	_ =	sdelay $0x3  }
0x96: {  	_ =	strace s2  }
0x97: {  	_ =	strace $0x8FFFFFFF  }
0x98: {  	s18 =	sld [smem:$0x3FDB];
	_ =	sdelay $0x1  }
0x99: {  	s19 =	simm.s32 $_scs_section_size  }
0x9a: {  	s4 =	simm.s32 $_size__tile_overlayer_lowered;
	s5 =	simm.s32 $_tile_overlayer_lowered  }
0x9b: {  	s22 =	simm.s32 $0x1BFF;
	s21 =	sshll.u32 s5, $0x1;
	s2 =	sadd.s32 s19, s18  }
0x9c: {  	s6 =	simm.s32 $0x0;
	s20 =	sshll.u32 s4, $0x1;
	s4 =	sadd.s32 s21, s2  }
0x9d: {  	[timem:s6], [sflag:s22] =	dma.local [hbm:s4], s20  }
0x9e: {  	_ =	swait.ge [sflag:s22], s20  }
0x9f: {  	s3 =	ssub.s32 $0x0, s20;
	[sflag:s22] =	ssyncset.done $0x0  }
0xa0: {  	[sflag:s22] =	ssyncadd.s32 s3;
	_ =	sdelay $0x1  }
0xa1: {  	s23 =	simm.s32 $0x1B8B  }
0xa2: {  	_ =	swait.ge [sflag:s23], $0x1  }
0xa3: {  	[sflag:s23] =	ssyncset.done $0x0  }
0xa4: {  	s25 =	simm.s32 $0x1B8E;
	s24 =	sld [smem:$0x3FFE];
	[sflag:s23] =	ssyncadd.s32 $0xFFFFFFFF  }
0xa5: {  	s26 =	simm.s32 $execute0_lowered;
	[smem:$0x3FD2] =	sst s25  }
0xa6: {  	s4 =	sshll.u32 s26, $0x1;
	_ =	strace $0x80000049;
	[dreg:$0x1] =	wrdreg $0xFFFFFFFF  }
0xa7: {  	s28 =	simm.s32 $_size_execute0_lowered;
	s2 =	sadd.s32 s2, s4;
	[dreg:$0x0] =	wrdreg $0x0  }
0xa8: {  	s4 =	sshll.u32 s28, $0x1;
	[dreg:$0x2] =	wrdreg s2  }
0xa9: {  	[dreg:$0x3] =	wrdreg s4  }
0xaa: {  	[dreg:$0x4] =	wrdreg $0xC0  }
0xab: {  	_ =	task [dreg:s6], $0x5FFFF  }
0xac: {  	[dreg:$0x1] =	wrdreg $0xFFFFFFFF  }
0xad: {  	[dreg:$0x0] =	wrdreg $0x60  }
0xae: {  	[dreg:$0x2] =	wrdreg s24  }
0xaf: {  	[dreg:$0x3] =	wrdreg $0x9  }
0xb0: {  	_ =	task.clear_ibuf [dreg:s6], $0x4FFFF;
	_ =	strace $0x90000049  }
0xb1: {  	s29 =	simm.s32 $0x9;
	_ =	strace $0x8000004B  }
0xb2: {  	_ =	swait.ge [sflag:s29], $0x1  }
0xb3: {  	[sflag:s29] =	ssyncadd.s32 $0xFFFFFFFF  }
0xb4: {  	_ =	strace $0x9000004B  }
0xb5: {  	_ =	sfence  }
0xb6: {  	s30 =	sld [smem:$0x0];
	_ =	sdelay $0x2  }
0xb7: {  	s31 =	sshll.u32 s1, $0xD;
	s1 =	sshrl.u32 s1, $0x2  }
0xb8: {  	s3 =	sand.u32 $0x4000, s31;
	s1 =	sadd.s32 s1, s30  }
0xb9: {  	s0 =	sor.u32 s3, s0;
	s1 =	sshll.u32 s1, $0x11  }
0xba: {  	s0 =	sor.u32 s1, s0  }
0xbb: {  	s0 =	sadd.s32 $0x8F2B, s0  }
0xbc: {  	[sflag:s0] =	ssyncadd.remote.s32 $0x1  }
0xbd: {  	_ =	sfence.sel $0xFFFF  }
0xbe: {  	[dreg:$0x0] =	wrdreg $0xFFFFFFFF;
	(pc) =	sbr.abs _section_cstart, $3  }
0xbf: {  	[dreg:$0x1] =	wrdreg $0xFFFFFFFF  }
0xc0: {  	_ =	task.clear_ibuf [dreg:s6], $0x2FFFF;
	_ =	strace $0x9FFFFFFF  }
0xc1: {  	(tm) =	ssettm $0x7FFFFFFF  }
tec
execute0_lowered:
.L_overlay_start_1:
0x0: {  	(tag) =	ssettag $0x1  }
0x1: {  	s4 =	rddreg [dreg:$0x0]  }
0x2: {  	s0 =	rddreg [dreg:$0x1]  }
0x3: {  	s3 =	srdreg.scid;
	s1 =	stileid.u32;
	s2 =	simm.s32 $0x0  }
0x4: {  	s11 =	simm.s32 $0x7C00;
	s5 =	sand.u32 $0x1, s3;
	s31 =	sshll.u32 s1, $0x1  }
0x5: {  	s12 =	simm.s32 $0x0;
	[smem:$0x7FF] =	sst s2;
	s6 =	sor.u32 s5, s31  }
0x6: {  	s8 =	sadd.s32 $0x3A00, s4;
	s3 =	sadd.s32 $0x7FA00, s4;
	s7 =	smul.u32 $0x7C00, s6  }
0x7: {  	s10 =	sadd.s32 $0x9EA00, s4;
	s5 =	ssub.s32 $0x2, s5;
	s6 =	smul.u32 $0xF80, s6  }
0x8: {  	_ =	strace $0x8000004A;
	s9 =	sshrl.u32 s5, $0x1;
	s7 =	sshrl.u32 s7, $0x3  }
0x9: {  	s9 =	ssub.s32 s5, s9;
	s4 =	sadd.s32 s8, s6;
	s7 =	sadd.s32 $0x1F000, s7  }
0xa: {  	s5 =	sadd.s32 s10, s6;
	s6 =	sadd.s32 s8, s7;
	s7 =	sadd.s32 s10, s7  }
0xb: {  	v0 =	vimm.f32 $0.0e+00;
	s8 =	smax.u32 s9, $0x1;
	s9 =	simm.s32 $0x2;
	s10 =	simm.s32 $0x1  }
.LBB2_1:
0xc: {  	[tilespmem:s2], [sflag:$0x2] =	stream.linear.gather [hbm4b:s4+s2], $0x7C00, $0x38;
	[tilespmem:$0x13600] =	vst v63  }
0xd: {  	_ =	swait.ge [sflag:s9], $0x7C00  }
0xe: {  	[sflag:s9] =	ssyncset.done $0x0  }
0xf: {  	s13 =	simm.s32 $0x0;
	[sflag:s9] =	ssyncadd.s32 $0xFFFF8400  }
.LBB2_2:
0x10: {  	p0 =	sne.s32 s13, $0x1EFC0  }
.Ltmp0:
0x11: {  	_ = 	snop;
	(pc) =	sbr.rel @p0 .LBB2_2-.Ltmp0, $3  }
0x12: {  	_ =	sdelay $0x1  }
0x13: {  	s14 =	sshra.s32 s13, $0x2  }
0x14: {  	s13 =	sadd.s32 $0x40, s13;
	[tilespmem:s14+$0x7C00] =	vst v0  }
0x15: {  	s13 =	simm.s32 $0x0;
	s14 =	simm.s32 $0xF800;
	s15 =	simm.s32 $0x0  }
.LBB2_4:
0x16: {  	p0 =	seq.s32 s15, $0x3D0  }
.Ltmp1:
0x17: {  	_ = 	snop;
	(pc) =	sbr.rel @!p0 .LBB2_4-.Ltmp1, $4  }
0x18: {  	_ = 	snop  }
0x19: {  	s16 =	sadd.s32 s15, s3  }
0x1a: {  	[tilespmem:s14], [sflag:$0x1] =	stream.linear.gather [hbm4b:s16+s13], $0x80, $0x38;
	[tilespmem:$0x13600] =	vst v63  }
0x1b: {  	s15 =	sadd.s32 $0x10, s15;
	s14 =	sadd.s32 $0x100, s14  }
0x1c: {  	p0 =	por $0x1, $0x1;
	p1 =	por $0x0, $0x0  }
.LBB2_7:
0x1d: {  	p2 =	seq.s32 s13, $0x7F  }
.Ltmp2:
0x1e: {  	_ = 	snop;
	(pc) =	sbr.rel @p2 .LBB2_11-.Ltmp2, $4  }
0x1f: {  	_ = 	snop  }
0x20: {  	_ =	swait.ge [sflag:s10], $0x1F00  }
0x21: {  	[sflag:s10] =	ssyncset.done $0x0  }
0x22: {  	s13 =	sadd.s32 $0x1, s13;
	[sflag:s10] =	ssyncadd.s32 $0xFFFFE100  }
0x23: {  	s14 =	simm.s32 $0x1  }
0x24: {  	s15 =	smul.u32 $0x3E0, s13;
	s14 =	simm.s32 @!p0 $0x0  }
0x25: {  	s14 =	sshll.u32 s14, $0x7  }
0x26: {  	s15 =	sadd.s32 s3, s15;
	s14 =	sor.u32 $0xF800, s14  }
0x27: {  	s16 =	simm.s32 $0x10;
	s18 =	sadd.s32 $0x0, s15;
	s17 =	sadd.s32 $0x100, s14  }
.LBB2_9:
0x28: {  	[tilespmem:s14], [sflag:$0x1] =	stream.linear.gather [hbm4b:s18+s2], $0x80, $0x38;
	[tilespmem:$0x13600] =	vst v63  }
0x29: {  	s18 =	smov.u32 s16;
	s14 =	smov.u32 s17;
	p2 =	sne.s32 s16, $0x3D0  }
.Ltmp3:
0x2a: {  	s16 =	sadd.s32 $0x10, s16;
	(pc) =	sbr.rel @p2 .LBB2_9-.Ltmp3, $2  }
0x2b: {  	_ =	sdelay $0x2  }
0x2c: {  	s17 =	sadd.s32 $0x100, s17;
	s18 =	sadd.s32 s18, s15  }
0x2d: {  	[tilespmem:s14], [sflag:$0x1] =	stream.linear.gather [hbm4b:s18+s2], $0x80, $0x38;
	[tilespmem:$0x13600] =	vst v63  }
.LBB2_11:
0x2e: {  	s14 =	simm.s32 $0x1  }
0x2f: {  	s14 =	simm.s32 @!p1 $0x0  }
0x30: {  	s14 =	sshll.u32 s14, $0x7  }
0x31: {  	s14 =	sor.u32 $0xF900, s14  }
0x32: {  	v12 =	vld [tilespmem:s14+$0xFFFFFF10]  }
0x33: {  	v4 =	vld [tilespmem:s14+$0xFFFFFF40]  }
0x34: {  	v3 =	vld [tilespmem:s14+$0xFFFFFF50]  }
0x35: {  	v2 =	vld [tilespmem:s14+$0xFFFFFF60]  }
0x36: {  	v14 =	vld [tilespmem:s14+$0xFFFFFF70]  }
0x37: {  	v5 =	vld [tilespmem:s14+$0xFFFFFF00]  }
0x38: {  	v6 =	vld [tilespmem:s14+$0x70]  }
0x39: {  	v7 =	vld [tilespmem:s14+$0x60]  }
0x3a: {  	v8 =	vld [tilespmem:s14+$0x50]  }
0x3b: {  	v1 =	vld [tilespmem:s14+$0xFFFFFF20]  }
0x3c: {  	v10 =	vld [tilespmem:s14+$0x40]  }
0x3d: {  	v11 =	vld [tilespmem:s14+$0x30];
	v9 =	vand.u32 $0xFFFF, v5  }
0x3e: {  	v15 =	vld [tilespmem:s14+$0x20];
	v13 =	vand.u32 $0xFFFF, v6  }
0x3f: {  	v17 =	vld [tilespmem:s14+$0x10];
	v16 =	vand.u32 $0xFFFF, v7  }
0x40: {  	v19 =	vld [tilespmem:s14+$0x0];
	v18 =	vand.u32 $0xFFFF, v8  }
0x41: {  	v22 =	vld [tilespmem:s14+$0xFFFFFF30];
	v20 =	vand.u32 $0xFFFF, v10  }
0x42: {  	v5 =	vshrl.u32 v5, $0x10;
	v9 =	vld.idx.msk [tilespmem:v9+s2+$0x0], $0xffff  }
0x43: {  	v21 =	vand.u32 $0xFFFF, v15;
	v13 =	vld.idx.msk [tilespmem:v13+s2+$0x0], $0xffff  }
0x44: {  	v6 =	vshrl.u32 v6, $0x10;
	v16 =	vld.idx.msk [tilespmem:v16+s2+$0x0], $0xffff  }
0x45: {  	v7 =	vshrl.u32 v7, $0x10;
	v18 =	vld.idx.msk [tilespmem:v18+s2+$0x0], $0xffff  }
0x46: {  	v23 =	vand.u32 $0xFFFF, v11;
	v20 =	vld.idx.msk [tilespmem:v20+s2+$0x0], $0xffff  }
0x47: {  	v8 =	vshrl.u32 v8, $0x10;
	[tilespmem:v5+s11+$0x0] =	vst.idx.add.f32.msk $0xffff, v9  }
0x48: {  	v5 =	vand.u32 $0xFFFF, v19;
	v9 =	vld.idx.msk [tilespmem:v21+s2+$0x0], $0xffff  }
0x49: {  	v62 =	vand.u32 $0xFFFF, v14;
	[tilespmem:v6+s11+$0x0] =	vst.idx.add.f32.msk $0xffff, v13  }
0x4a: {  	v10 =	vshrl.u32 v10, $0x10;
	[tilespmem:v7+s11+$0x0] =	vst.idx.add.f32.msk $0xffff, v16  }
0x4b: {  	v6 =	vand.u32 $0xFFFF, v17;
	v16 =	vld.idx.msk [tilespmem:v23+s2+$0x0], $0xffff  }
0x4c: {  	v63 =	vand.u32 $0xFFFF, v3;
	[tilespmem:v8+s11+$0x0] =	vst.idx.add.f32.msk $0xffff, v18  }
0x4d: {  	v7 =	vld.idx.msk [tilespmem:v5+s2+$0x0], $0xffff;
	v5 =	vshrl.u32 v15, $0x10;
	v15 =	vshrl.u32 v11, $0x10  }
0x4e: {  	v8 =	vand.u32 $0xFFFF, v4;
	v13 =	vld.idx.msk [tilespmem:v62+s2+$0x0], $0xffff  }
0x4f: {  	[tilespmem:v10+s11+$0x0] =	vst.idx.add.f32.msk $0xffff, v20  }
0x50: {  	v18 =	vand.u32 $0xFFFF, v2;
	v11 =	vld.idx.msk [tilespmem:v6+s2+$0x0], $0xffff  }
0x51: {  	v20 =	vand.u32 $0xFFFF, v22;
	v6 =	vld.idx.msk [tilespmem:v63+s2+$0x0], $0xffff  }
0x52: {  	[tilespmem:v15+s11+$0x0] =	vst.idx.add.f32.msk $0xffff, v16;
	v15 =	vshrl.u32 v14, $0x10  }
0x53: {  	v8 =	vld.idx.msk [tilespmem:v8+s2+$0x0], $0xffff;
	v16 =	vshrl.u32 v19, $0x10  }
0x54: {  	v3 =	vshrl.u32 v3, $0x10;
	v17 =	vshrl.u32 v17, $0x10;
	[tilespmem:v5+s11+$0x0] =	vst.idx.add.f32.msk $0xffff, v9  }
0x55: {  	v2 =	vshrl.u32 v2, $0x10;
	v4 =	vshrl.u32 v4, $0x10;
	v9 =	vand.u32 $0xFFFF, v1;
	v14 =	vld.idx.msk [tilespmem:v18+s2+$0x0], $0xffff  }
0x56: {  	s15 =	simm.s32 $0x0;
	v10 =	vand.u32 $0xFFFF, v12;
	v12 =	vshrl.u32 v12, $0x10;
	v5 =	vshrl.u32 v22, $0x10;
	v18 =	vld.idx.msk [tilespmem:v20+s2+$0x0], $0xffff  }
.LBB2_12:
0x57: {  	s15 =	sadd.s32 $0x10, s15;
	[tilespmem:v15+s11+$0x0] =	vst.idx.add.f32.msk $0xffff, v13;
	s14 =	sadd.s32 $0x200, s14  }
0x58: {  	p2 =	slt.u32 s15, $0x1E0;
	[tilespmem:v16+s11+$0x0] =	vst.idx.add.f32.msk $0xffff, v7  }
0x59: {  	[tilespmem:v17+s11+$0x0] =	vst.idx.add.f32.msk $0xffff, v11  }
0x5a: {  	v7 =	vld.idx.msk [tilespmem:v9+s2+$0x0], $0xffff  }
0x5b: {  	v1 =	vshrl.u32 v1, $0x10;
	v9 =	vld.idx.msk [tilespmem:v10+s2+$0x0], $0xffff  }
0x5c: {  	[tilespmem:v5+s11+$0x0] =	vst.idx.add.f32.msk $0xffff, v18  }
0x5d: {  	[tilespmem:v2+s11+$0x0] =	vst.idx.add.f32.msk $0xffff, v14  }
0x5e: {  	[tilespmem:v3+s11+$0x0] =	vst.idx.add.f32.msk $0xffff, v6  }
0x5f: {  	[tilespmem:v4+s11+$0x0] =	vst.idx.add.f32.msk $0xffff, v8  }
0x60: {  	[tilespmem:v1+s11+$0x0] =	vst.idx.add.f32.msk $0xffff, v7  }
0x61: {  	[tilespmem:v12+s11+$0x0] =	vst.idx.add.f32.msk $0xffff, v9  }
0x62: {  	v8 =	vld [tilespmem:s14+$0xFFFFFF10]  }
0x63: {  	v5 =	vld [tilespmem:s14+$0xFFFFFF40]  }
0x64: {  	v4 =	vld [tilespmem:s14+$0xFFFFFF50]  }
0x65: {  	v3 =	vld [tilespmem:s14+$0xFFFFFF60]  }
0x66: {  	v6 =	vld [tilespmem:s14+$0xFFFFFF70]  }
0x67: {  	v2 =	vld [tilespmem:s14+$0xFFFFFF00]  }
0x68: {  	v7 =	vld [tilespmem:s14+$0x70]  }
0x69: {  	v9 =	vld [tilespmem:s14+$0x60]  }
0x6a: {  	v10 =	vld [tilespmem:s14+$0x50]  }
0x6b: {  	v1 =	vld [tilespmem:s14+$0xFFFFFF20]  }
0x6c: {  	v11 =	vand.u32 $0xFFFF, v2;
	v12 =	vld [tilespmem:s14+$0x40]  }
0x6d: {  	v13 =	vld [tilespmem:s14+$0x30];
	v14 =	vand.u32 $0xFFFF, v7  }
0x6e: {  	v15 =	vld [tilespmem:s14+$0x20];
	v16 =	vand.u32 $0xFFFF, v9  }
0x6f: {  	v17 =	vld [tilespmem:s14+$0x10];
	v18 =	vand.u32 $0xFFFF, v10  }
0x70: {  	v19 =	vld [tilespmem:s14+$0x0]  }
0x71: {  	v11 =	vld.idx.msk [tilespmem:v11+s2+$0x0], $0xffff;
	v20 =	vand.u32 $0xFFFF, v12  }
0x72: {  	v2 =	vshrl.u32 v2, $0x10;
	v14 =	vld.idx.msk [tilespmem:v14+s2+$0x0], $0xffff  }
0x73: {  	v7 =	vshrl.u32 v7, $0x10;
	v21 =	vand.u32 $0xFFFF, v15;
	v16 =	vld.idx.msk [tilespmem:v16+s2+$0x0], $0xffff  }
0x74: {  	v9 =	vshrl.u32 v9, $0x10;
	v23 =	vand.u32 $0xFFFF, v13;
	v22 =	vand.u32 $0xFFFF, v17;
	v18 =	vld.idx.msk [tilespmem:v18+s2+$0x0], $0xffff  }
0x75: {  	v26 =	vshrl.u32 v10, $0x10;
	v24 =	vld [tilespmem:s14+$0xFFFFFF30];
	v25 =	vand.u32 $0xFFFF, v19  }
0x76: {  	v27 =	vand.u32 $0xFFFF, v6;
	v20 =	vld.idx.msk [tilespmem:v20+s2+$0x0], $0xffff  }
0x77: {  	v28 =	vand.u32 $0xFFFF, v3;
	[tilespmem:v2+s11+$0x0] =	vst.idx.add.f32.msk $0xffff, v11;
	v2 =	vshrl.u32 v3, $0x10  }
0x78: {  	v29 =	vand.u32 $0xFFFF, v4;
	v12 =	vshrl.u32 v12, $0x10;
	v3 =	vshrl.u32 v4, $0x10;
	v21 =	vld.idx.msk [tilespmem:v21+s2+$0x0], $0xffff  }
0x79: {  	v30 =	vand.u32 $0xFFFF, v5;
	v4 =	vshrl.u32 v5, $0x10;
	[tilespmem:v7+s11+$0x0] =	vst.idx.add.f32.msk $0xffff, v14  }
0x7a: {  	v14 =	vshrl.u32 v15, $0x10;
	v5 =	vshrl.u32 v24, $0x10;
	v24 =	vand.u32 $0xFFFF, v24;
	[tilespmem:v9+s11+$0x0] =	vst.idx.add.f32.msk $0xffff, v16  }
0x7b: {  	v9 =	vand.u32 $0xFFFF, v1;
	v23 =	vld.idx.msk [tilespmem:v23+s2+$0x0], $0xffff  }
0x7c: {  	v10 =	vand.u32 $0xFFFF, v8;
	v31 =	vshrl.u32 v13, $0x10;
	[tilespmem:v26+s11+$0x0] =	vst.idx.add.f32.msk $0xffff, v18  }
0x7d: {  	v7 =	vld.idx.msk [tilespmem:v25+s2+$0x0], $0xffff  }
0x7e: {  	v13 =	vld.idx.msk [tilespmem:v27+s2+$0x0], $0xffff  }
0x7f: {  	v15 =	vshrl.u32 v6, $0x10;
	v11 =	vld.idx.msk [tilespmem:v22+s2+$0x0], $0xffff  }
0x80: {  	v16 =	vshrl.u32 v19, $0x10;
	[tilespmem:v12+s11+$0x0] =	vst.idx.add.f32.msk $0xffff, v20  }
0x81: {  	v17 =	vshrl.u32 v17, $0x10;
	v6 =	vld.idx.msk [tilespmem:v29+s2+$0x0], $0xffff  }
.Ltmp4:
0x82: {  	v12 =	vshrl.u32 v8, $0x10;
	v8 =	vld.idx.msk [tilespmem:v30+s2+$0x0], $0xffff;
	(pc) =	sbr.rel @p2 .LBB2_12-.Ltmp4, $4  }
0x83: {  	[tilespmem:v14+s11+$0x0] =	vst.idx.add.f32.msk $0xffff, v21  }
0x84: {  	[tilespmem:v31+s11+$0x0] =	vst.idx.add.f32.msk $0xffff, v23  }
0x85: {  	v14 =	vld.idx.msk [tilespmem:v28+s2+$0x0], $0xffff  }
0x86: {  	v18 =	vld.idx.msk [tilespmem:v24+s2+$0x0], $0xffff  }
0x87: {  	_ =	sdelay $0x3  }
0x88: {  	[tilespmem:v15+s11+$0x0] =	vst.idx.add.f32.msk $0xffff, v13  }
0x89: {  	[tilespmem:v16+s11+$0x0] =	vst.idx.add.f32.msk $0xffff, v7  }
0x8a: {  	[tilespmem:v17+s11+$0x0] =	vst.idx.add.f32.msk $0xffff, v11  }
0x8b: {  	v62 =	vld.idx.msk [tilespmem:v9+s2+$0x0], $0xffff  }
0x8c: {  	v63 =	vld.idx.msk [tilespmem:v10+s2+$0x0], $0xffff;
	v1 =	vshrl.u32 v1, $0x10  }
0x8d: {  	[tilespmem:v3+s11+$0x0] =	vst.idx.add.f32.msk $0xffff, v6  }
0x8e: {  	[tilespmem:v4+s11+$0x0] =	vst.idx.add.f32.msk $0xffff, v8  }
0x8f: {  	[tilespmem:v2+s11+$0x0] =	vst.idx.add.f32.msk $0xffff, v14  }
0x90: {  	[tilespmem:v5+s11+$0x0] =	vst.idx.add.f32.msk $0xffff, v18  }
0x91: {  	[tilespmem:v1+s11+$0x0] =	vst.idx.add.f32.msk $0xffff, v62  }
0x92: {  	[tilespmem:v12+s11+$0x0] =	vst.idx.add.f32.msk $0xffff, v63  }
0x93: {  	p2 =	seq.s32 s13, $0x80  }
.Ltmp5:
0x94: {  	_ = 	snop;
	(pc) =	sbr.rel @!p2 .LBB2_7-.Ltmp5, $2  }
0x95: {  	_ =	sdelay $0x2  }
0x96: {  	p0 =	por !p0, !p0;
	p1 =	por !p1, !p1  }
0x97: {  	s14 =	simm.s32 $0x0  }
0x98: {  	[hbm4b:s5+s14] =	stream.linear.scatter [tilespmem:s11], [sflag:$0x2], $0x7C00, $0x38;
	[tilespmem:$0x13600] =	vst v63  }
0x99: {  	_ =	swait.ge [sflag:s9], $0x7C00  }
0x9a: {  	[sflag:s9] =	ssyncset.done $0x0  }
0x9b: {  	[sflag:s9] =	ssyncadd.s32 $0xFFFF8400  }
0x9c: {  	[tilespmem:s14], [sflag:$0x2] =	stream.linear.gather [hbm4b:s6+s14], $0x7C00, $0x38;
	[tilespmem:$0x13600] =	vst v63  }
0x9d: {  	_ =	swait.ge [sflag:s9], $0x7C00  }
0x9e: {  	[sflag:s9] =	ssyncset.done $0x0  }
0x9f: {  	s13 =	simm.s32 $0x0;
	[sflag:s9] =	ssyncadd.s32 $0xFFFF8400  }
.LBB2_15:
0xa0: {  	p0 =	sne.s32 s13, $0x1EFC0  }
.Ltmp6:
0xa1: {  	_ = 	snop;
	(pc) =	sbr.rel @p0 .LBB2_15-.Ltmp6, $3  }
0xa2: {  	_ =	sdelay $0x1  }
0xa3: {  	s15 =	sshra.s32 s13, $0x2  }
0xa4: {  	s13 =	sadd.s32 $0x40, s13;
	[tilespmem:s15+$0x7C00] =	vst v0  }
0xa5: {  	s15 =	simm.s32 $0xF800  }
.LBB2_17:
0xa6: {  	p0 =	seq.s32 s14, $0x3D0  }
.Ltmp7:
0xa7: {  	_ = 	snop;
	(pc) =	sbr.rel @!p0 .LBB2_17-.Ltmp7, $4  }
0xa8: {  	_ = 	snop  }
0xa9: {  	s16 =	sadd.s32 s14, s3;
	s13 =	simm.s32 $0x0  }
0xaa: {  	[tilespmem:s15], [sflag:$0x1] =	stream.linear.gather [hbm4b:s16+s13], $0x80, $0x38;
	[tilespmem:$0x13600] =	vst v63  }
0xab: {  	s14 =	sadd.s32 $0x10, s14;
	s15 =	sadd.s32 $0x100, s15  }
0xac: {  	p0 =	por $0x1, $0x1;
	p1 =	por $0x0, $0x0  }
.LBB2_20:
0xad: {  	p2 =	seq.s32 s13, $0x7F  }
.Ltmp8:
0xae: {  	_ = 	snop;
	(pc) =	sbr.rel @p2 .LBB2_24-.Ltmp8, $4  }
0xaf: {  	_ = 	snop  }
0xb0: {  	_ =	swait.ge [sflag:s10], $0x1F00  }
0xb1: {  	[sflag:s10] =	ssyncset.done $0x0  }
0xb2: {  	s13 =	sadd.s32 $0x1, s13;
	[sflag:s10] =	ssyncadd.s32 $0xFFFFE100  }
0xb3: {  	s14 =	simm.s32 $0x1  }
0xb4: {  	s15 =	smul.u32 $0x3E0, s13;
	s14 =	simm.s32 @!p0 $0x0  }
0xb5: {  	s14 =	sshll.u32 s14, $0x7  }
0xb6: {  	s15 =	sadd.s32 s3, s15;
	s14 =	sor.u32 $0xF800, s14  }
0xb7: {  	s16 =	simm.s32 $0x10;
	s18 =	sadd.s32 $0x0, s15;
	s17 =	sadd.s32 $0x100, s14  }
.LBB2_22:
0xb8: {  	[tilespmem:s14], [sflag:$0x1] =	stream.linear.gather [hbm4b:s18+s2], $0x80, $0x38;
	[tilespmem:$0x13600] =	vst v63  }
0xb9: {  	s18 =	smov.u32 s16;
	s14 =	smov.u32 s17;
	p2 =	sne.s32 s16, $0x3D0  }
.Ltmp9:
0xba: {  	s16 =	sadd.s32 $0x10, s16;
	(pc) =	sbr.rel @p2 .LBB2_22-.Ltmp9, $2  }
0xbb: {  	_ =	sdelay $0x2  }
0xbc: {  	s17 =	sadd.s32 $0x100, s17;
	s18 =	sadd.s32 s18, s15  }
0xbd: {  	[tilespmem:s14], [sflag:$0x1] =	stream.linear.gather [hbm4b:s18+s2], $0x80, $0x38;
	[tilespmem:$0x13600] =	vst v63  }
.LBB2_24:
0xbe: {  	s14 =	simm.s32 $0x1  }
0xbf: {  	s14 =	simm.s32 @!p1 $0x0  }
0xc0: {  	s14 =	sshll.u32 s14, $0x7  }
0xc1: {  	s14 =	sor.u32 $0xF900, s14  }
0xc2: {  	v12 =	vld [tilespmem:s14+$0xFFFFFF10]  }
0xc3: {  	v4 =	vld [tilespmem:s14+$0xFFFFFF40]  }
0xc4: {  	v3 =	vld [tilespmem:s14+$0xFFFFFF50]  }
0xc5: {  	v2 =	vld [tilespmem:s14+$0xFFFFFF60]  }
0xc6: {  	v14 =	vld [tilespmem:s14+$0xFFFFFF70]  }
0xc7: {  	v5 =	vld [tilespmem:s14+$0xFFFFFF00]  }
0xc8: {  	v6 =	vld [tilespmem:s14+$0x70]  }
0xc9: {  	v7 =	vld [tilespmem:s14+$0x60]  }
0xca: {  	v8 =	vld [tilespmem:s14+$0x50]  }
0xcb: {  	v1 =	vld [tilespmem:s14+$0xFFFFFF20]  }
0xcc: {  	v10 =	vld [tilespmem:s14+$0x40]  }
0xcd: {  	v11 =	vld [tilespmem:s14+$0x30];
	v9 =	vand.u32 $0xFFFF, v5  }
0xce: {  	v15 =	vld [tilespmem:s14+$0x20];
	v13 =	vand.u32 $0xFFFF, v6  }
0xcf: {  	v17 =	vld [tilespmem:s14+$0x10];
	v16 =	vand.u32 $0xFFFF, v7  }
0xd0: {  	v19 =	vld [tilespmem:s14+$0x0];
	v18 =	vand.u32 $0xFFFF, v8  }
0xd1: {  	v22 =	vld [tilespmem:s14+$0xFFFFFF30];
	v20 =	vand.u32 $0xFFFF, v10  }
0xd2: {  	v5 =	vshrl.u32 v5, $0x10;
	v9 =	vld.idx.msk [tilespmem:v9+s2+$0x0], $0xffff  }
0xd3: {  	v21 =	vand.u32 $0xFFFF, v15;
	v13 =	vld.idx.msk [tilespmem:v13+s2+$0x0], $0xffff  }
0xd4: {  	v6 =	vshrl.u32 v6, $0x10;
	v16 =	vld.idx.msk [tilespmem:v16+s2+$0x0], $0xffff  }
0xd5: {  	v7 =	vshrl.u32 v7, $0x10;
	v18 =	vld.idx.msk [tilespmem:v18+s2+$0x0], $0xffff  }
0xd6: {  	v23 =	vand.u32 $0xFFFF, v11;
	v20 =	vld.idx.msk [tilespmem:v20+s2+$0x0], $0xffff  }
0xd7: {  	v8 =	vshrl.u32 v8, $0x10;
	[tilespmem:v5+s11+$0x0] =	vst.idx.add.f32.msk $0xffff, v9  }
0xd8: {  	v5 =	vand.u32 $0xFFFF, v19;
	v9 =	vld.idx.msk [tilespmem:v21+s2+$0x0], $0xffff  }
0xd9: {  	v62 =	vand.u32 $0xFFFF, v14;
	[tilespmem:v6+s11+$0x0] =	vst.idx.add.f32.msk $0xffff, v13  }
0xda: {  	v10 =	vshrl.u32 v10, $0x10;
	[tilespmem:v7+s11+$0x0] =	vst.idx.add.f32.msk $0xffff, v16  }
0xdb: {  	v6 =	vand.u32 $0xFFFF, v17;
	v16 =	vld.idx.msk [tilespmem:v23+s2+$0x0], $0xffff  }
0xdc: {  	v63 =	vand.u32 $0xFFFF, v3;
	[tilespmem:v8+s11+$0x0] =	vst.idx.add.f32.msk $0xffff, v18  }
0xdd: {  	v7 =	vld.idx.msk [tilespmem:v5+s2+$0x0], $0xffff;
	v5 =	vshrl.u32 v15, $0x10;
	v15 =	vshrl.u32 v11, $0x10  }
0xde: {  	v8 =	vand.u32 $0xFFFF, v4;
	v13 =	vld.idx.msk [tilespmem:v62+s2+$0x0], $0xffff  }
0xdf: {  	[tilespmem:v10+s11+$0x0] =	vst.idx.add.f32.msk $0xffff, v20  }
0xe0: {  	v18 =	vand.u32 $0xFFFF, v2;
	v11 =	vld.idx.msk [tilespmem:v6+s2+$0x0], $0xffff  }
0xe1: {  	v20 =	vand.u32 $0xFFFF, v22;
	v6 =	vld.idx.msk [tilespmem:v63+s2+$0x0], $0xffff  }
0xe2: {  	[tilespmem:v15+s11+$0x0] =	vst.idx.add.f32.msk $0xffff, v16;
	v15 =	vshrl.u32 v14, $0x10  }
0xe3: {  	v8 =	vld.idx.msk [tilespmem:v8+s2+$0x0], $0xffff;
	v16 =	vshrl.u32 v19, $0x10  }
0xe4: {  	v3 =	vshrl.u32 v3, $0x10;
	v17 =	vshrl.u32 v17, $0x10;
	[tilespmem:v5+s11+$0x0] =	vst.idx.add.f32.msk $0xffff, v9  }
0xe5: {  	v2 =	vshrl.u32 v2, $0x10;
	v4 =	vshrl.u32 v4, $0x10;
	v9 =	vand.u32 $0xFFFF, v1;
	v14 =	vld.idx.msk [tilespmem:v18+s2+$0x0], $0xffff  }
0xe6: {  	s15 =	simm.s32 $0x0;
	v10 =	vand.u32 $0xFFFF, v12;
	v12 =	vshrl.u32 v12, $0x10;
	v5 =	vshrl.u32 v22, $0x10;
	v18 =	vld.idx.msk [tilespmem:v20+s2+$0x0], $0xffff  }
.LBB2_25:
0xe7: {  	s15 =	sadd.s32 $0x10, s15;
	[tilespmem:v15+s11+$0x0] =	vst.idx.add.f32.msk $0xffff, v13;
	s14 =	sadd.s32 $0x200, s14  }
0xe8: {  	p2 =	slt.u32 s15, $0x1E0;
	[tilespmem:v16+s11+$0x0] =	vst.idx.add.f32.msk $0xffff, v7  }
0xe9: {  	[tilespmem:v17+s11+$0x0] =	vst.idx.add.f32.msk $0xffff, v11  }
0xea: {  	v7 =	vld.idx.msk [tilespmem:v9+s2+$0x0], $0xffff  }
0xeb: {  	v1 =	vshrl.u32 v1, $0x10;
	v9 =	vld.idx.msk [tilespmem:v10+s2+$0x0], $0xffff  }
0xec: {  	[tilespmem:v5+s11+$0x0] =	vst.idx.add.f32.msk $0xffff, v18  }
0xed: {  	[tilespmem:v2+s11+$0x0] =	vst.idx.add.f32.msk $0xffff, v14  }
0xee: {  	[tilespmem:v3+s11+$0x0] =	vst.idx.add.f32.msk $0xffff, v6  }
0xef: {  	[tilespmem:v4+s11+$0x0] =	vst.idx.add.f32.msk $0xffff, v8  }
0xf0: {  	[tilespmem:v1+s11+$0x0] =	vst.idx.add.f32.msk $0xffff, v7  }
0xf1: {  	[tilespmem:v12+s11+$0x0] =	vst.idx.add.f32.msk $0xffff, v9  }
0xf2: {  	v8 =	vld [tilespmem:s14+$0xFFFFFF10]  }
0xf3: {  	v5 =	vld [tilespmem:s14+$0xFFFFFF40]  }
0xf4: {  	v4 =	vld [tilespmem:s14+$0xFFFFFF50]  }
0xf5: {  	v3 =	vld [tilespmem:s14+$0xFFFFFF60]  }
0xf6: {  	v6 =	vld [tilespmem:s14+$0xFFFFFF70]  }
0xf7: {  	v2 =	vld [tilespmem:s14+$0xFFFFFF00]  }
0xf8: {  	v7 =	vld [tilespmem:s14+$0x70]  }
0xf9: {  	v9 =	vld [tilespmem:s14+$0x60]  }
0xfa: {  	v10 =	vld [tilespmem:s14+$0x50]  }
0xfb: {  	v1 =	vld [tilespmem:s14+$0xFFFFFF20]  }
0xfc: {  	v11 =	vand.u32 $0xFFFF, v2;
	v12 =	vld [tilespmem:s14+$0x40]  }
0xfd: {  	v13 =	vld [tilespmem:s14+$0x30];
	v14 =	vand.u32 $0xFFFF, v7  }
0xfe: {  	v15 =	vld [tilespmem:s14+$0x20];
	v16 =	vand.u32 $0xFFFF, v9  }
0xff: {  	v17 =	vld [tilespmem:s14+$0x10];
	v18 =	vand.u32 $0xFFFF, v10  }
0x100: {  	v19 =	vld [tilespmem:s14+$0x0]  }
0x101: {  	v11 =	vld.idx.msk [tilespmem:v11+s2+$0x0], $0xffff;
	v20 =	vand.u32 $0xFFFF, v12  }
0x102: {  	v2 =	vshrl.u32 v2, $0x10;
	v14 =	vld.idx.msk [tilespmem:v14+s2+$0x0], $0xffff  }
0x103: {  	v7 =	vshrl.u32 v7, $0x10;
	v21 =	vand.u32 $0xFFFF, v15;
	v16 =	vld.idx.msk [tilespmem:v16+s2+$0x0], $0xffff  }
0x104: {  	v9 =	vshrl.u32 v9, $0x10;
	v23 =	vand.u32 $0xFFFF, v13;
	v22 =	vand.u32 $0xFFFF, v17;
	v18 =	vld.idx.msk [tilespmem:v18+s2+$0x0], $0xffff  }
0x105: {  	v26 =	vshrl.u32 v10, $0x10;
	v24 =	vld [tilespmem:s14+$0xFFFFFF30];
	v25 =	vand.u32 $0xFFFF, v19  }
0x106: {  	v27 =	vand.u32 $0xFFFF, v6;
	v20 =	vld.idx.msk [tilespmem:v20+s2+$0x0], $0xffff  }
0x107: {  	v28 =	vand.u32 $0xFFFF, v3;
	[tilespmem:v2+s11+$0x0] =	vst.idx.add.f32.msk $0xffff, v11;
	v2 =	vshrl.u32 v3, $0x10  }
0x108: {  	v29 =	vand.u32 $0xFFFF, v4;
	v12 =	vshrl.u32 v12, $0x10;
	v3 =	vshrl.u32 v4, $0x10;
	v21 =	vld.idx.msk [tilespmem:v21+s2+$0x0], $0xffff  }
0x109: {  	v30 =	vand.u32 $0xFFFF, v5;
	v4 =	vshrl.u32 v5, $0x10;
	[tilespmem:v7+s11+$0x0] =	vst.idx.add.f32.msk $0xffff, v14  }
0x10a: {  	v14 =	vshrl.u32 v15, $0x10;
	v5 =	vshrl.u32 v24, $0x10;
	v24 =	vand.u32 $0xFFFF, v24;
	[tilespmem:v9+s11+$0x0] =	vst.idx.add.f32.msk $0xffff, v16  }
0x10b: {  	v9 =	vand.u32 $0xFFFF, v1;
	v23 =	vld.idx.msk [tilespmem:v23+s2+$0x0], $0xffff  }
0x10c: {  	v10 =	vand.u32 $0xFFFF, v8;
	v31 =	vshrl.u32 v13, $0x10;
	[tilespmem:v26+s11+$0x0] =	vst.idx.add.f32.msk $0xffff, v18  }
0x10d: {  	v7 =	vld.idx.msk [tilespmem:v25+s2+$0x0], $0xffff  }
0x10e: {  	v13 =	vld.idx.msk [tilespmem:v27+s2+$0x0], $0xffff  }
0x10f: {  	v15 =	vshrl.u32 v6, $0x10;
	v11 =	vld.idx.msk [tilespmem:v22+s2+$0x0], $0xffff  }
0x110: {  	v16 =	vshrl.u32 v19, $0x10;
	[tilespmem:v12+s11+$0x0] =	vst.idx.add.f32.msk $0xffff, v20  }
0x111: {  	v17 =	vshrl.u32 v17, $0x10;
	v6 =	vld.idx.msk [tilespmem:v29+s2+$0x0], $0xffff  }
.Ltmp10:
0x112: {  	v12 =	vshrl.u32 v8, $0x10;
	v8 =	vld.idx.msk [tilespmem:v30+s2+$0x0], $0xffff;
	(pc) =	sbr.rel @p2 .LBB2_25-.Ltmp10, $4  }
0x113: {  	[tilespmem:v14+s11+$0x0] =	vst.idx.add.f32.msk $0xffff, v21  }
0x114: {  	[tilespmem:v31+s11+$0x0] =	vst.idx.add.f32.msk $0xffff, v23  }
0x115: {  	v14 =	vld.idx.msk [tilespmem:v28+s2+$0x0], $0xffff  }
0x116: {  	v18 =	vld.idx.msk [tilespmem:v24+s2+$0x0], $0xffff  }
0x117: {  	_ =	sdelay $0x3  }
0x118: {  	[tilespmem:v15+s11+$0x0] =	vst.idx.add.f32.msk $0xffff, v13  }
0x119: {  	[tilespmem:v16+s11+$0x0] =	vst.idx.add.f32.msk $0xffff, v7  }
0x11a: {  	[tilespmem:v17+s11+$0x0] =	vst.idx.add.f32.msk $0xffff, v11  }
0x11b: {  	v62 =	vld.idx.msk [tilespmem:v9+s2+$0x0], $0xffff  }
0x11c: {  	v63 =	vld.idx.msk [tilespmem:v10+s2+$0x0], $0xffff;
	v1 =	vshrl.u32 v1, $0x10  }
0x11d: {  	[tilespmem:v3+s11+$0x0] =	vst.idx.add.f32.msk $0xffff, v6  }
0x11e: {  	[tilespmem:v4+s11+$0x0] =	vst.idx.add.f32.msk $0xffff, v8  }
0x11f: {  	[tilespmem:v2+s11+$0x0] =	vst.idx.add.f32.msk $0xffff, v14  }
0x120: {  	[tilespmem:v5+s11+$0x0] =	vst.idx.add.f32.msk $0xffff, v18  }
0x121: {  	[tilespmem:v1+s11+$0x0] =	vst.idx.add.f32.msk $0xffff, v62  }
0x122: {  	[tilespmem:v12+s11+$0x0] =	vst.idx.add.f32.msk $0xffff, v63  }
0x123: {  	p2 =	seq.s32 s13, $0x80  }
.Ltmp11:
0x124: {  	_ = 	snop;
	(pc) =	sbr.rel @!p2 .LBB2_20-.Ltmp11, $2  }
0x125: {  	_ =	sdelay $0x2  }
0x126: {  	p0 =	por !p0, !p0;
	p1 =	por !p1, !p1  }
0x127: {  	s12 =	sadd.s32 $0x1, s12  }
0x128: {  	p0 =	sne.s32 s12, s8  }
.Ltmp12:
0x129: {  	_ = 	snop;
	(pc) =	sbr.rel @p0 .LBB2_1-.Ltmp12, $4  }
0x12a: {  	[hbm4b:s7+s2] =	stream.linear.scatter [tilespmem:s11], [sflag:$0x2], $0x7C00, $0x38;
	[tilespmem:$0x13600] =	vst v63  }
0x12b: {  	_ =	swait.ge [sflag:s9], $0x7C00  }
0x12c: {  	[sflag:s9] =	ssyncset.done $0x0  }
0x12d: {  	[sflag:s9] =	ssyncadd.s32 $0xFFFF8400  }
0x12e: {  	_ =	sfence.sel $0x180000  }
0x12f: {  	[bflag:$0x0] =	sbarrier.arrive $0xFFFF  }
0x130: {  	p0 =	sne.s32 s1, $0x0;
	_ =	strace $0x9000004A  }
0x131: {  	s0 =	sadd.s32 @!p0 $0x100000, s0;
	[bflag:$0x2] =	sbarrier.arrive $0xFFFF  }
0x132: {  	[sflag:s0] =	ssyncadd.tile.s32 @!p0 $0x1;
	_ =	shalt  }
.Lfunc_end2:
_tile_overlayer_lowered:
.L_overlay_start_2:
0x133: {  	(tag) =	ssettag $0x2  }
0x134: {  	s0 =	rddreg [dreg:$0x0];
	s2 =	stileid.u32  }
0x135: {  	s1 =	rddreg [dreg:$0x1];
	p0 =	sne.s32 s2, $0x0  }
0x136: {  	s3 =	rddreg [dreg:$0x2];
	[bflag:$0x3] =	sbarrier.arrive $0xFFFF;
	s2 =	simm.s32 @!p0 $0x1C02  }
0x137: {  	[timem:s3], [sflag:s2] =	dma.local @!p0 [hbm:s0], s1  }
0x138: {  	s0 =	simm.s32 @!p0 $0x2  }
0x139: {  	_ =	swait.ge @!p0 [sflag:s0], s1  }
0x13a: {  	s1 =	ssub.s32 @!p0 $0x0, s1;
	[sflag:s0] =	ssyncset.done @!p0 $0x0  }
0x13b: {  	[sflag:s0] =	ssyncadd.s32 @!p0 s1  }
0x13c: {  	[bflag:$0x3] =	sbarrier.arrive $0xFFFF  }
0x13d: {  	_ =	shalt  }

// kernel: kernel.16.cloned.1.call-start
scs
__scs_entry_jumppad:
0x0: {  	(pc) =	sbr.rel $0x88, $3  }
0x1: {  	(tag) =	ssettag $0x0;
	lr =	simm.s32 $0x1  }
0x2: {  	[smem:$0x3F91] =	sst lr;
	_ =	strace $0xD0000000  }
0x3: {  	_ = 	snop  }
0x4: {  	_ = 	snop  }
0x5: {  	_ = 	snop  }
0x6: {  	_ = 	snop  }
0x7: {  	_ = 	snop  }
__scs_overlays_trampoline_lowered:
0x8: {  	[smem:$0x3FA0] =	sst s0  }
0x9: {  	[smem:$0x3FA1] =	sst s1  }
0xa: {  	[smem:$0x3FA2] =	sst s2  }
0xb: {  	[smem:$0x3FA3] =	sst s3  }
0xc: {  	[smem:$0x3FA4] =	sst s4  }
0xd: {  	[smem:$0x3FA5] =	sst s5  }
0xe: {  	[smem:$0x3FA6] =	sst s6  }
0xf: {  	[smem:$0x3FA7] =	sst s7  }
0x10: {  	[smem:$0x3FA8] =	sst s8  }
0x11: {  	[smem:$0x3FA9] =	sst s9;
	s0 =	simm.s32 @!p0 $0x0  }
0x12: {  	s1 =	sld [smem:$0x3F8F];
	s0 =	simm.s32 @p0 $0x1  }
0x13: {  	[smem:$0x3FAA] =	sst s0;
	s0 =	simm.s32 @!p1 $0x0  }
0x14: {  	s2 =	sld [smem:$0x3F8E];
	s0 =	simm.s32 @p1 $0x1  }
0x15: {  	[smem:$0x3FAB] =	sst s0;
	s0 =	simm.s32 @!p2 $0x0  }
0x16: {  	s3 =	sld [smem:$0x3FDB];
	s0 =	simm.s32 @p2 $0x1  }
0x17: {  	s4 =	simm.s32 $0x1BF5;
	[smem:$0x3FAD] =	sst s0  }
0x18: {  	s0 =	sld [smem:$0x3F90];
	_ =	swait.ge [sflag:s4], $0x0  }
0x19: {  	s7 =	sld [smem:$0x3F91]  }
0x1a: {  	s8 =	sadd.s32 $0xFFFFE003, lr  }
0x1b: {  	s9 =	sadd.s32 $0xFFFFFEF7, lr;
	s5 =	simm.s32 $0xFFFFFFFF;
	p2 =	slt.u32 s8, $0xFFFFF086  }
0x1c: {  	p1 =	slt.u32 s9, $0xF7A;
	s5 =	simm.s32 @!p2 $0x0  }
0x1d: {  	s5 =	simm.s32 @p1 $0x1;
	p0 =	seq.s32 s7, s2  }
0x1e: {  	s7 =	smul.u32 @!p0 $0xF7A, s2;
	p2 =	seq.s32 @!p0 s5, $0x0  }
0x1f: {  	s9 =	smul.u32 $0xF7A, s1;
	s8 =	simm.s32 @!p0 $0x1BF5;
	p2 =	por !p2, p0  }
0x20: {  	[sflag:s8] =	ssyncset.s32 @!p0 $0xFFFFF086;
	s6 =	sadd.s32 @!p0 s3, s7;
	s7 =	simm.s32 @!p0 $0x108  }
0x21: {  	s3 =	sadd.s32 s3, s9;
	s6 =	sadd.s32 @!p0 $0x88, s6;
	s7 =	simm.s32 @p2 $0x1082  }
0x22: {  	[simem:s7], [sflag:s8] =	dma.local @!p0 [hbm:s6], $0xF7A  }
0x23: {  	s9 =	sor.u32 $0xD0000000, s2;
	s6 =	simm.s32 $0x108;
	_ =	swait.ge @!p0 [sflag:s8], $0x0  }
0x24: {  	s3 =	sadd.s32 $0x88, s3;
	s6 =	simm.s32 @!p1 $0x1082;
	[sflag:s4] =	ssyncset.s32 $0xFFFFF086  }
0x25: {  	[simem:s6], [sflag:s4] =	dma.local [hbm:s3], $0xF7A  }
0x26: {  	[smem:$0x3F91] =	sst s1;
	(tag) =	ssettag s2;
	_ =	strace s9  }
0x27: {  	s1 =	sld [smem:$0x3FA1]  }
0x28: {  	s2 =	sld [smem:$0x3FA2]  }
0x29: {  	s4 =	sld [smem:$0x3FA4]  }
0x2a: {  	p0 =	seq.s32 s5, $0x0;
	s5 =	sld [smem:$0x3FA5]  }
0x2b: {  	s6 =	sld [smem:$0x3FA6]  }
0x2c: {  	s7 =	sld [smem:$0x3FA7]  }
0x2d: {  	s3 =	simm.s32 $0x108;
	s8 =	sld [smem:$0x3FA8]  }
0x2e: {  	s3 =	simm.s32 @!p0 $0x1082;
	s9 =	sld [smem:$0x3FA9]  }
0x2f: {  	lr =	sadd.s32 s0, s3;
	s0 =	sld [smem:$0x3FA0]  }
0x30: {  	s3 =	sld [smem:$0x3FA3]  }
0x31: {  	[smem:$0x3FAC] =	sst s10  }
0x32: {  	s10 =	sld [smem:$0x3FAA];
	_ =	sdelay $0x3  }
0x33: {  	p0 =	seq.s32 s10, $0x1;
	s10 =	sld [smem:$0x3FAC];
	_ =	sdelay $0x3  }
0x34: {  	[smem:$0x3FAC] =	sst s10  }
0x35: {  	s10 =	sld [smem:$0x3FAB];
	_ =	sdelay $0x3  }
0x36: {  	p1 =	seq.s32 s10, $0x1;
	s10 =	sld [smem:$0x3FAC];
	_ =	sdelay $0x3  }
0x37: {  	[smem:$0x3FAC] =	sst s10  }
0x38: {  	s10 =	sld [smem:$0x3FAD]  }
0x39: {  	_ = 	snop;
	(pc) =	sbr.ind lr, $3  }
0x3a: {  	_ = 	snop  }
0x3b: {  	_ = 	snop  }
0x3c: {  	p2 =	seq.s32 s10, $0x1;
	s10 =	sld [smem:$0x3FAC]  }
0x3d: {  	_ =	shalt  }
0x3e: {  	_ =	shalt  }
0x3f: {  	_ =	shalt  }
0x40: {  	_ =	shalt  }
0x41: {  	_ =	shalt  }
0x42: {  	_ =	shalt  }
0x43: {  	_ =	shalt  }
0x44: {  	_ =	shalt  }
0x45: {  	_ =	shalt  }
0x46: {  	_ =	shalt  }
0x47: {  	_ =	shalt  }
0x48: {  	_ =	shalt  }
0x49: {  	_ =	shalt  }
0x4a: {  	_ =	shalt  }
0x4b: {  	_ =	shalt  }
0x4c: {  	_ =	shalt  }
0x4d: {  	_ =	shalt  }
0x4e: {  	_ =	shalt  }
0x4f: {  	_ =	shalt  }
0x50: {  	_ =	shalt  }
0x51: {  	_ =	shalt  }
0x52: {  	_ =	shalt  }
0x53: {  	_ =	shalt  }
0x54: {  	_ =	shalt  }
0x55: {  	_ =	shalt  }
0x56: {  	_ =	shalt  }
0x57: {  	_ =	shalt  }
0x58: {  	_ =	shalt  }
0x59: {  	_ =	shalt  }
0x5a: {  	_ =	shalt  }
0x5b: {  	_ =	shalt  }
0x5c: {  	_ =	shalt  }
0x5d: {  	_ =	shalt  }
0x5e: {  	_ =	shalt  }
0x5f: {  	_ =	shalt  }
0x60: {  	_ =	shalt  }
0x61: {  	_ =	shalt  }
0x62: {  	_ =	shalt  }
0x63: {  	_ =	shalt  }
0x64: {  	_ =	shalt  }
0x65: {  	_ =	shalt  }
0x66: {  	_ =	shalt  }
0x67: {  	_ =	shalt  }
0x68: {  	_ =	shalt  }
0x69: {  	_ =	shalt  }
0x6a: {  	_ =	shalt  }
0x6b: {  	_ =	shalt  }
0x6c: {  	_ =	shalt  }
0x6d: {  	_ =	shalt  }
0x6e: {  	_ =	shalt  }
0x6f: {  	_ =	shalt  }
0x70: {  	_ =	shalt  }
0x71: {  	_ =	shalt  }
0x72: {  	_ =	shalt  }
0x73: {  	_ =	shalt  }
0x74: {  	_ =	shalt  }
0x75: {  	_ =	shalt  }
0x76: {  	_ =	shalt  }
0x77: {  	_ =	shalt  }
0x78: {  	_ =	shalt  }
0x79: {  	_ =	shalt  }
0x7a: {  	_ =	shalt  }
0x7b: {  	_ =	shalt  }
0x7c: {  	_ =	shalt  }
0x7d: {  	_ =	shalt  }
0x7e: {  	_ =	shalt  }
0x7f: {  	_ =	shalt  }
0x80: {  	_ =	shalt  }
0x81: {  	_ =	shalt  }
0x82: {  	_ =	shalt  }
0x83: {  	_ =	shalt  }
0x84: {  	_ =	shalt  }
0x85: {  	_ =	shalt  }
0x86: {  	_ =	shalt  }
0x87: {  	_ =	shalt  }
.Lfunc_end0:
.L_simem_size_0:
called_computation.2_lowered:
.L_overlay_start_0:
0x88: {  	s2 =	sld [smem:$0x3FD9]  }
0x89: {  	s3 =	sld [smem:$0x3FFE];
	_ =	sdelay $0x1  }
0x8a: {  	s1 =	srdreg.scid  }
0x8b: {  	s0 =	sand.u32 $0x1, s1  }
0x8c: {  	s16 =	sshll.u32 s0, $0xA;
	s2 =	sadd.s32 s3, s2  }
0x8d: {  	s2 =	sadd.s32 s2, s16  }
0x8e: {  	[smem:$0x3FB8] =	sst s2  }
0x8f: {  	_ = 	snop  }
0x90: {  	(tm) =	ssettm $0x1  }
0x91: {  	s17 =	sld [smem:$0x3FFB];
	_ =	sdelay $0x3  }
0x92: {  	_ =	strace s17  }
0x93: {  	s2 =	sld [smem:$0x3FFC];
	_ =	sdelay $0x3  }
0x94: {  	_ =	strace s2  }
0x95: {  	s2 =	sld [smem:$0x3FFD];
	_ =	sdelay $0x3  }
0x96: {  	_ =	strace s2  }
0x97: {  	_ =	strace $0x8FFFFFFF  }
0x98: {  	s18 =	sld [smem:$0x3FDB];
	_ =	sdelay $0x1  }
0x99: {  	s19 =	simm.s32 $_scs_section_size  }
0x9a: {  	s4 =	simm.s32 $_size__tile_overlayer_lowered;
	s5 =	simm.s32 $_tile_overlayer_lowered  }
0x9b: {  	s22 =	simm.s32 $0x1BFF;
	s21 =	sshll.u32 s5, $0x1;
	s2 =	sadd.s32 s19, s18  }
0x9c: {  	s6 =	simm.s32 $0x0;
	s20 =	sshll.u32 s4, $0x1;
	s4 =	sadd.s32 s21, s2  }
0x9d: {  	[timem:s6], [sflag:s22] =	dma.local [hbm:s4], s20  }
0x9e: {  	_ =	swait.ge [sflag:s22], s20  }
0x9f: {  	s3 =	ssub.s32 $0x0, s20;
	[sflag:s22] =	ssyncset.done $0x0  }
0xa0: {  	[sflag:s22] =	ssyncadd.s32 s3;
	_ =	sdelay $0x1  }
0xa1: {  	s23 =	simm.s32 $0x1B8B  }
0xa2: {  	_ =	swait.ge [sflag:s23], $0x1  }
0xa3: {  	[sflag:s23] =	ssyncset.done $0x0  }
0xa4: {  	s25 =	simm.s32 $0x1B8E;
	s24 =	sld [smem:$0x3FFE];
	[sflag:s23] =	ssyncadd.s32 $0xFFFFFFFF  }
0xa5: {  	s26 =	simm.s32 $execute0_lowered;
	[smem:$0x3FD2] =	sst s25  }
0xa6: {  	s4 =	sshll.u32 s26, $0x1;
	_ =	strace $0x8000004C;
	[dreg:$0x1] =	wrdreg $0xFFFFFFFF  }
0xa7: {  	s28 =	simm.s32 $_size_execute0_lowered;
	s2 =	sadd.s32 s2, s4;
	[dreg:$0x0] =	wrdreg $0x0  }
0xa8: {  	s4 =	sshll.u32 s28, $0x1;
	[dreg:$0x2] =	wrdreg s2  }
0xa9: {  	[dreg:$0x3] =	wrdreg s4  }
0xaa: {  	[dreg:$0x4] =	wrdreg $0xC0  }
0xab: {  	_ =	task [dreg:s6], $0x5FFFF  }
0xac: {  	[dreg:$0x1] =	wrdreg $0xFFFFFFFF  }
0xad: {  	[dreg:$0x0] =	wrdreg $0x60  }
0xae: {  	[dreg:$0x2] =	wrdreg s24  }
0xaf: {  	[dreg:$0x3] =	wrdreg $0x9  }
0xb0: {  	_ =	task.clear_ibuf [dreg:s6], $0x4FFFF;
	_ =	strace $0x9000004C  }
0xb1: {  	s29 =	simm.s32 $0x9;
	_ =	strace $0x8000004E  }
0xb2: {  	_ =	swait.ge [sflag:s29], $0x1  }
0xb3: {  	[sflag:s29] =	ssyncadd.s32 $0xFFFFFFFF  }
0xb4: {  	_ =	strace $0x9000004E  }
0xb5: {  	_ =	sfence  }
0xb6: {  	s30 =	sld [smem:$0x0];
	_ =	sdelay $0x2  }
0xb7: {  	s31 =	sshll.u32 s1, $0xD;
	s1 =	sshrl.u32 s1, $0x2  }
0xb8: {  	s3 =	sand.u32 $0x4000, s31;
	s1 =	sadd.s32 s1, s30  }
0xb9: {  	s0 =	sor.u32 s3, s0;
	s1 =	sshll.u32 s1, $0x11  }
0xba: {  	s0 =	sor.u32 s1, s0  }
0xbb: {  	s0 =	sadd.s32 $0x8F2B, s0  }
0xbc: {  	[sflag:s0] =	ssyncadd.remote.s32 $0x1  }
0xbd: {  	_ =	sfence.sel $0xFFFF  }
0xbe: {  	[dreg:$0x0] =	wrdreg $0xFFFFFFFF;
	(pc) =	sbr.abs _section_cstart, $3  }
0xbf: {  	[dreg:$0x1] =	wrdreg $0xFFFFFFFF  }
0xc0: {  	_ =	task.clear_ibuf [dreg:s6], $0x2FFFF;
	_ =	strace $0x9FFFFFFF  }
0xc1: {  	(tm) =	ssettm $0x7FFFFFFF  }
tec
execute0_lowered:
.L_overlay_start_1:
0x0: {  	(tag) =	ssettag $0x1  }
0x1: {  	s4 =	rddreg [dreg:$0x0]  }
0x2: {  	s0 =	rddreg [dreg:$0x1]  }
0x3: {  	s3 =	srdreg.scid;
	s1 =	stileid.u32;
	s2 =	simm.s32 $0x0  }
0x4: {  	s11 =	simm.s32 $0x7C00;
	s5 =	sand.u32 $0x1, s3;
	s31 =	sshll.u32 s1, $0x1  }
0x5: {  	s12 =	simm.s32 $0x0;
	[smem:$0x7FF] =	sst s2;
	s6 =	sor.u32 s5, s31  }
0x6: {  	s8 =	sadd.s32 $0x9EA00, s4;
	s3 =	sadd.s32 $0x7FA00, s4;
	s7 =	smul.u32 $0x7C00, s6  }
0x7: {  	s10 =	sadd.s32 $0xDCA00, s4;
	s5 =	ssub.s32 $0x2, s5;
	s6 =	smul.u32 $0xF80, s6  }
0x8: {  	_ =	strace $0x8000004D;
	s9 =	sshrl.u32 s5, $0x1;
	s7 =	sshrl.u32 s7, $0x3  }
0x9: {  	s9 =	ssub.s32 s5, s9;
	s4 =	sadd.s32 s8, s6;
	s7 =	sadd.s32 $0x1F000, s7  }
0xa: {  	s5 =	sadd.s32 s10, s6;
	s6 =	sadd.s32 s8, s7;
	s7 =	sadd.s32 s10, s7  }
0xb: {  	v0 =	vimm.f32 $0.0e+00;
	s8 =	smax.u32 s9, $0x1;
	s9 =	simm.s32 $0x2;
	s10 =	simm.s32 $0x1  }
.LBB2_1:
0xc: {  	[tilespmem:s2], [sflag:$0x2] =	stream.linear.gather [hbm4b:s4+s2], $0x7C00, $0x38;
	[tilespmem:$0x13600] =	vst v63  }
0xd: {  	_ =	swait.ge [sflag:s9], $0x7C00  }
0xe: {  	[sflag:s9] =	ssyncset.done $0x0  }
0xf: {  	s13 =	simm.s32 $0x0;
	[sflag:s9] =	ssyncadd.s32 $0xFFFF8400  }
.LBB2_2:
0x10: {  	p0 =	sne.s32 s13, $0x1EFC0  }
.Ltmp0:
0x11: {  	_ = 	snop;
	(pc) =	sbr.rel @p0 .LBB2_2-.Ltmp0, $3  }
0x12: {  	_ =	sdelay $0x1  }
0x13: {  	s14 =	sshra.s32 s13, $0x2  }
0x14: {  	s13 =	sadd.s32 $0x40, s13;
	[tilespmem:s14+$0x7C00] =	vst v0  }
0x15: {  	s13 =	simm.s32 $0x0;
	s14 =	simm.s32 $0xF800;
	s15 =	simm.s32 $0x0  }
.LBB2_4:
0x16: {  	p0 =	seq.s32 s15, $0x3D0  }
.Ltmp1:
0x17: {  	_ = 	snop;
	(pc) =	sbr.rel @!p0 .LBB2_4-.Ltmp1, $4  }
0x18: {  	_ = 	snop  }
0x19: {  	s16 =	sadd.s32 s15, s3  }
0x1a: {  	[tilespmem:s14], [sflag:$0x1] =	stream.linear.gather [hbm4b:s16+s13], $0x80, $0x38;
	[tilespmem:$0x13600] =	vst v63  }
0x1b: {  	s15 =	sadd.s32 $0x10, s15;
	s14 =	sadd.s32 $0x100, s14  }
0x1c: {  	p0 =	por $0x1, $0x1;
	p1 =	por $0x0, $0x0  }
.LBB2_7:
0x1d: {  	p2 =	seq.s32 s13, $0x7F  }
.Ltmp2:
0x1e: {  	_ = 	snop;
	(pc) =	sbr.rel @p2 .LBB2_11-.Ltmp2, $4  }
0x1f: {  	_ = 	snop  }
0x20: {  	_ =	swait.ge [sflag:s10], $0x1F00  }
0x21: {  	[sflag:s10] =	ssyncset.done $0x0  }
0x22: {  	s13 =	sadd.s32 $0x1, s13;
	[sflag:s10] =	ssyncadd.s32 $0xFFFFE100  }
0x23: {  	s14 =	simm.s32 $0x1  }
0x24: {  	s15 =	smul.u32 $0x3E0, s13;
	s14 =	simm.s32 @!p0 $0x0  }
0x25: {  	s14 =	sshll.u32 s14, $0x7  }
0x26: {  	s15 =	sadd.s32 s3, s15;
	s14 =	sor.u32 $0xF800, s14  }
0x27: {  	s16 =	simm.s32 $0x10;
	s18 =	sadd.s32 $0x0, s15;
	s17 =	sadd.s32 $0x100, s14  }
.LBB2_9:
0x28: {  	[tilespmem:s14], [sflag:$0x1] =	stream.linear.gather [hbm4b:s18+s2], $0x80, $0x38;
	[tilespmem:$0x13600] =	vst v63  }
0x29: {  	s18 =	smov.u32 s16;
	s14 =	smov.u32 s17;
	p2 =	sne.s32 s16, $0x3D0  }
.Ltmp3:
0x2a: {  	s16 =	sadd.s32 $0x10, s16;
	(pc) =	sbr.rel @p2 .LBB2_9-.Ltmp3, $2  }
0x2b: {  	_ =	sdelay $0x2  }
0x2c: {  	s17 =	sadd.s32 $0x100, s17;
	s18 =	sadd.s32 s18, s15  }
0x2d: {  	[tilespmem:s14], [sflag:$0x1] =	stream.linear.gather [hbm4b:s18+s2], $0x80, $0x38;
	[tilespmem:$0x13600] =	vst v63  }
.LBB2_11:
0x2e: {  	s14 =	simm.s32 $0x1  }
0x2f: {  	s14 =	simm.s32 @!p1 $0x0  }
0x30: {  	s14 =	sshll.u32 s14, $0x7  }
0x31: {  	s14 =	sor.u32 $0xF900, s14  }
0x32: {  	v12 =	vld [tilespmem:s14+$0xFFFFFF10]  }
0x33: {  	v4 =	vld [tilespmem:s14+$0xFFFFFF40]  }
0x34: {  	v3 =	vld [tilespmem:s14+$0xFFFFFF50]  }
0x35: {  	v2 =	vld [tilespmem:s14+$0xFFFFFF60]  }
0x36: {  	v14 =	vld [tilespmem:s14+$0xFFFFFF70]  }
0x37: {  	v5 =	vld [tilespmem:s14+$0xFFFFFF00]  }
0x38: {  	v6 =	vld [tilespmem:s14+$0x70]  }
0x39: {  	v7 =	vld [tilespmem:s14+$0x60]  }
0x3a: {  	v8 =	vld [tilespmem:s14+$0x50]  }
0x3b: {  	v1 =	vld [tilespmem:s14+$0xFFFFFF20]  }
0x3c: {  	v10 =	vld [tilespmem:s14+$0x40]  }
0x3d: {  	v11 =	vld [tilespmem:s14+$0x30];
	v9 =	vand.u32 $0xFFFF, v5  }
0x3e: {  	v15 =	vld [tilespmem:s14+$0x20];
	v13 =	vand.u32 $0xFFFF, v6  }
0x3f: {  	v17 =	vld [tilespmem:s14+$0x10];
	v16 =	vand.u32 $0xFFFF, v7  }
0x40: {  	v19 =	vld [tilespmem:s14+$0x0];
	v18 =	vand.u32 $0xFFFF, v8  }
0x41: {  	v22 =	vld [tilespmem:s14+$0xFFFFFF30];
	v20 =	vand.u32 $0xFFFF, v10  }
0x42: {  	v5 =	vshrl.u32 v5, $0x10;
	v9 =	vld.idx.msk [tilespmem:v9+s2+$0x0], $0xffff  }
0x43: {  	v21 =	vand.u32 $0xFFFF, v15;
	v13 =	vld.idx.msk [tilespmem:v13+s2+$0x0], $0xffff  }
0x44: {  	v6 =	vshrl.u32 v6, $0x10;
	v16 =	vld.idx.msk [tilespmem:v16+s2+$0x0], $0xffff  }
0x45: {  	v7 =	vshrl.u32 v7, $0x10;
	v18 =	vld.idx.msk [tilespmem:v18+s2+$0x0], $0xffff  }
0x46: {  	v23 =	vand.u32 $0xFFFF, v11;
	v20 =	vld.idx.msk [tilespmem:v20+s2+$0x0], $0xffff  }
0x47: {  	v8 =	vshrl.u32 v8, $0x10;
	[tilespmem:v5+s11+$0x0] =	vst.idx.add.f32.msk $0xffff, v9  }
0x48: {  	v5 =	vand.u32 $0xFFFF, v19;
	v9 =	vld.idx.msk [tilespmem:v21+s2+$0x0], $0xffff  }
0x49: {  	v62 =	vand.u32 $0xFFFF, v14;
	[tilespmem:v6+s11+$0x0] =	vst.idx.add.f32.msk $0xffff, v13  }
0x4a: {  	v10 =	vshrl.u32 v10, $0x10;
	[tilespmem:v7+s11+$0x0] =	vst.idx.add.f32.msk $0xffff, v16  }
0x4b: {  	v6 =	vand.u32 $0xFFFF, v17;
	v16 =	vld.idx.msk [tilespmem:v23+s2+$0x0], $0xffff  }
0x4c: {  	v63 =	vand.u32 $0xFFFF, v3;
	[tilespmem:v8+s11+$0x0] =	vst.idx.add.f32.msk $0xffff, v18  }
0x4d: {  	v7 =	vld.idx.msk [tilespmem:v5+s2+$0x0], $0xffff;
	v5 =	vshrl.u32 v15, $0x10;
	v15 =	vshrl.u32 v11, $0x10  }
0x4e: {  	v8 =	vand.u32 $0xFFFF, v4;
	v13 =	vld.idx.msk [tilespmem:v62+s2+$0x0], $0xffff  }
0x4f: {  	[tilespmem:v10+s11+$0x0] =	vst.idx.add.f32.msk $0xffff, v20  }
0x50: {  	v18 =	vand.u32 $0xFFFF, v2;
	v11 =	vld.idx.msk [tilespmem:v6+s2+$0x0], $0xffff  }
0x51: {  	v20 =	vand.u32 $0xFFFF, v22;
	v6 =	vld.idx.msk [tilespmem:v63+s2+$0x0], $0xffff  }
0x52: {  	[tilespmem:v15+s11+$0x0] =	vst.idx.add.f32.msk $0xffff, v16;
	v15 =	vshrl.u32 v14, $0x10  }
0x53: {  	v8 =	vld.idx.msk [tilespmem:v8+s2+$0x0], $0xffff;
	v16 =	vshrl.u32 v19, $0x10  }
0x54: {  	v3 =	vshrl.u32 v3, $0x10;
	v17 =	vshrl.u32 v17, $0x10;
	[tilespmem:v5+s11+$0x0] =	vst.idx.add.f32.msk $0xffff, v9  }
0x55: {  	v2 =	vshrl.u32 v2, $0x10;
	v4 =	vshrl.u32 v4, $0x10;
	v9 =	vand.u32 $0xFFFF, v1;
	v14 =	vld.idx.msk [tilespmem:v18+s2+$0x0], $0xffff  }
0x56: {  	s15 =	simm.s32 $0x0;
	v10 =	vand.u32 $0xFFFF, v12;
	v12 =	vshrl.u32 v12, $0x10;
	v5 =	vshrl.u32 v22, $0x10;
	v18 =	vld.idx.msk [tilespmem:v20+s2+$0x0], $0xffff  }
.LBB2_12:
0x57: {  	s15 =	sadd.s32 $0x10, s15;
	[tilespmem:v15+s11+$0x0] =	vst.idx.add.f32.msk $0xffff, v13;
	s14 =	sadd.s32 $0x200, s14  }
0x58: {  	p2 =	slt.u32 s15, $0x1E0;
	[tilespmem:v16+s11+$0x0] =	vst.idx.add.f32.msk $0xffff, v7  }
0x59: {  	[tilespmem:v17+s11+$0x0] =	vst.idx.add.f32.msk $0xffff, v11  }
0x5a: {  	v7 =	vld.idx.msk [tilespmem:v9+s2+$0x0], $0xffff  }
0x5b: {  	v1 =	vshrl.u32 v1, $0x10;
	v9 =	vld.idx.msk [tilespmem:v10+s2+$0x0], $0xffff  }
0x5c: {  	[tilespmem:v5+s11+$0x0] =	vst.idx.add.f32.msk $0xffff, v18  }
0x5d: {  	[tilespmem:v2+s11+$0x0] =	vst.idx.add.f32.msk $0xffff, v14  }
0x5e: {  	[tilespmem:v3+s11+$0x0] =	vst.idx.add.f32.msk $0xffff, v6  }
0x5f: {  	[tilespmem:v4+s11+$0x0] =	vst.idx.add.f32.msk $0xffff, v8  }
0x60: {  	[tilespmem:v1+s11+$0x0] =	vst.idx.add.f32.msk $0xffff, v7  }
0x61: {  	[tilespmem:v12+s11+$0x0] =	vst.idx.add.f32.msk $0xffff, v9  }
0x62: {  	v8 =	vld [tilespmem:s14+$0xFFFFFF10]  }
0x63: {  	v5 =	vld [tilespmem:s14+$0xFFFFFF40]  }
0x64: {  	v4 =	vld [tilespmem:s14+$0xFFFFFF50]  }
0x65: {  	v3 =	vld [tilespmem:s14+$0xFFFFFF60]  }
0x66: {  	v6 =	vld [tilespmem:s14+$0xFFFFFF70]  }
0x67: {  	v2 =	vld [tilespmem:s14+$0xFFFFFF00]  }
0x68: {  	v7 =	vld [tilespmem:s14+$0x70]  }
0x69: {  	v9 =	vld [tilespmem:s14+$0x60]  }
0x6a: {  	v10 =	vld [tilespmem:s14+$0x50]  }
0x6b: {  	v1 =	vld [tilespmem:s14+$0xFFFFFF20]  }
0x6c: {  	v11 =	vand.u32 $0xFFFF, v2;
	v12 =	vld [tilespmem:s14+$0x40]  }
0x6d: {  	v13 =	vld [tilespmem:s14+$0x30];
	v14 =	vand.u32 $0xFFFF, v7  }
0x6e: {  	v15 =	vld [tilespmem:s14+$0x20];
	v16 =	vand.u32 $0xFFFF, v9  }
0x6f: {  	v17 =	vld [tilespmem:s14+$0x10];
	v18 =	vand.u32 $0xFFFF, v10  }
0x70: {  	v19 =	vld [tilespmem:s14+$0x0]  }
0x71: {  	v11 =	vld.idx.msk [tilespmem:v11+s2+$0x0], $0xffff;
	v20 =	vand.u32 $0xFFFF, v12  }
0x72: {  	v2 =	vshrl.u32 v2, $0x10;
	v14 =	vld.idx.msk [tilespmem:v14+s2+$0x0], $0xffff  }
0x73: {  	v7 =	vshrl.u32 v7, $0x10;
	v21 =	vand.u32 $0xFFFF, v15;
	v16 =	vld.idx.msk [tilespmem:v16+s2+$0x0], $0xffff  }
0x74: {  	v9 =	vshrl.u32 v9, $0x10;
	v23 =	vand.u32 $0xFFFF, v13;
	v22 =	vand.u32 $0xFFFF, v17;
	v18 =	vld.idx.msk [tilespmem:v18+s2+$0x0], $0xffff  }
0x75: {  	v26 =	vshrl.u32 v10, $0x10;
	v24 =	vld [tilespmem:s14+$0xFFFFFF30];
	v25 =	vand.u32 $0xFFFF, v19  }
0x76: {  	v27 =	vand.u32 $0xFFFF, v6;
	v20 =	vld.idx.msk [tilespmem:v20+s2+$0x0], $0xffff  }
0x77: {  	v28 =	vand.u32 $0xFFFF, v3;
	[tilespmem:v2+s11+$0x0] =	vst.idx.add.f32.msk $0xffff, v11;
	v2 =	vshrl.u32 v3, $0x10  }
0x78: {  	v29 =	vand.u32 $0xFFFF, v4;
	v12 =	vshrl.u32 v12, $0x10;
	v3 =	vshrl.u32 v4, $0x10;
	v21 =	vld.idx.msk [tilespmem:v21+s2+$0x0], $0xffff  }
0x79: {  	v30 =	vand.u32 $0xFFFF, v5;
	v4 =	vshrl.u32 v5, $0x10;
	[tilespmem:v7+s11+$0x0] =	vst.idx.add.f32.msk $0xffff, v14  }
0x7a: {  	v14 =	vshrl.u32 v15, $0x10;
	v5 =	vshrl.u32 v24, $0x10;
	v24 =	vand.u32 $0xFFFF, v24;
	[tilespmem:v9+s11+$0x0] =	vst.idx.add.f32.msk $0xffff, v16  }
0x7b: {  	v9 =	vand.u32 $0xFFFF, v1;
	v23 =	vld.idx.msk [tilespmem:v23+s2+$0x0], $0xffff  }
0x7c: {  	v10 =	vand.u32 $0xFFFF, v8;
	v31 =	vshrl.u32 v13, $0x10;
	[tilespmem:v26+s11+$0x0] =	vst.idx.add.f32.msk $0xffff, v18  }
0x7d: {  	v7 =	vld.idx.msk [tilespmem:v25+s2+$0x0], $0xffff  }
0x7e: {  	v13 =	vld.idx.msk [tilespmem:v27+s2+$0x0], $0xffff  }
0x7f: {  	v15 =	vshrl.u32 v6, $0x10;
	v11 =	vld.idx.msk [tilespmem:v22+s2+$0x0], $0xffff  }
0x80: {  	v16 =	vshrl.u32 v19, $0x10;
	[tilespmem:v12+s11+$0x0] =	vst.idx.add.f32.msk $0xffff, v20  }
0x81: {  	v17 =	vshrl.u32 v17, $0x10;
	v6 =	vld.idx.msk [tilespmem:v29+s2+$0x0], $0xffff  }
.Ltmp4:
0x82: {  	v12 =	vshrl.u32 v8, $0x10;
	v8 =	vld.idx.msk [tilespmem:v30+s2+$0x0], $0xffff;
	(pc) =	sbr.rel @p2 .LBB2_12-.Ltmp4, $4  }
0x83: {  	[tilespmem:v14+s11+$0x0] =	vst.idx.add.f32.msk $0xffff, v21  }
0x84: {  	[tilespmem:v31+s11+$0x0] =	vst.idx.add.f32.msk $0xffff, v23  }
0x85: {  	v14 =	vld.idx.msk [tilespmem:v28+s2+$0x0], $0xffff  }
0x86: {  	v18 =	vld.idx.msk [tilespmem:v24+s2+$0x0], $0xffff  }
0x87: {  	_ =	sdelay $0x3  }
0x88: {  	[tilespmem:v15+s11+$0x0] =	vst.idx.add.f32.msk $0xffff, v13  }
0x89: {  	[tilespmem:v16+s11+$0x0] =	vst.idx.add.f32.msk $0xffff, v7  }
0x8a: {  	[tilespmem:v17+s11+$0x0] =	vst.idx.add.f32.msk $0xffff, v11  }
0x8b: {  	v62 =	vld.idx.msk [tilespmem:v9+s2+$0x0], $0xffff  }
0x8c: {  	v63 =	vld.idx.msk [tilespmem:v10+s2+$0x0], $0xffff;
	v1 =	vshrl.u32 v1, $0x10  }
0x8d: {  	[tilespmem:v3+s11+$0x0] =	vst.idx.add.f32.msk $0xffff, v6  }
0x8e: {  	[tilespmem:v4+s11+$0x0] =	vst.idx.add.f32.msk $0xffff, v8  }
0x8f: {  	[tilespmem:v2+s11+$0x0] =	vst.idx.add.f32.msk $0xffff, v14  }
0x90: {  	[tilespmem:v5+s11+$0x0] =	vst.idx.add.f32.msk $0xffff, v18  }
0x91: {  	[tilespmem:v1+s11+$0x0] =	vst.idx.add.f32.msk $0xffff, v62  }
0x92: {  	[tilespmem:v12+s11+$0x0] =	vst.idx.add.f32.msk $0xffff, v63  }
0x93: {  	p2 =	seq.s32 s13, $0x80  }
.Ltmp5:
0x94: {  	_ = 	snop;
	(pc) =	sbr.rel @!p2 .LBB2_7-.Ltmp5, $2  }
0x95: {  	_ =	sdelay $0x2  }
0x96: {  	p0 =	por !p0, !p0;
	p1 =	por !p1, !p1  }
0x97: {  	s14 =	simm.s32 $0x0  }
0x98: {  	[hbm4b:s5+s14] =	stream.linear.scatter [tilespmem:s11], [sflag:$0x2], $0x7C00, $0x38;
	[tilespmem:$0x13600] =	vst v63  }
0x99: {  	_ =	swait.ge [sflag:s9], $0x7C00  }
0x9a: {  	[sflag:s9] =	ssyncset.done $0x0  }
0x9b: {  	[sflag:s9] =	ssyncadd.s32 $0xFFFF8400  }
0x9c: {  	[tilespmem:s14], [sflag:$0x2] =	stream.linear.gather [hbm4b:s6+s14], $0x7C00, $0x38;
	[tilespmem:$0x13600] =	vst v63  }
0x9d: {  	_ =	swait.ge [sflag:s9], $0x7C00  }
0x9e: {  	[sflag:s9] =	ssyncset.done $0x0  }
0x9f: {  	s13 =	simm.s32 $0x0;
	[sflag:s9] =	ssyncadd.s32 $0xFFFF8400  }
.LBB2_15:
0xa0: {  	p0 =	sne.s32 s13, $0x1EFC0  }
.Ltmp6:
0xa1: {  	_ = 	snop;
	(pc) =	sbr.rel @p0 .LBB2_15-.Ltmp6, $3  }
0xa2: {  	_ =	sdelay $0x1  }
0xa3: {  	s15 =	sshra.s32 s13, $0x2  }
0xa4: {  	s13 =	sadd.s32 $0x40, s13;
	[tilespmem:s15+$0x7C00] =	vst v0  }
0xa5: {  	s15 =	simm.s32 $0xF800  }
.LBB2_17:
0xa6: {  	p0 =	seq.s32 s14, $0x3D0  }
.Ltmp7:
0xa7: {  	_ = 	snop;
	(pc) =	sbr.rel @!p0 .LBB2_17-.Ltmp7, $4  }
0xa8: {  	_ = 	snop  }
0xa9: {  	s16 =	sadd.s32 s14, s3;
	s13 =	simm.s32 $0x0  }
0xaa: {  	[tilespmem:s15], [sflag:$0x1] =	stream.linear.gather [hbm4b:s16+s13], $0x80, $0x38;
	[tilespmem:$0x13600] =	vst v63  }
0xab: {  	s14 =	sadd.s32 $0x10, s14;
	s15 =	sadd.s32 $0x100, s15  }
0xac: {  	p0 =	por $0x1, $0x1;
	p1 =	por $0x0, $0x0  }
.LBB2_20:
0xad: {  	p2 =	seq.s32 s13, $0x7F  }
.Ltmp8:
0xae: {  	_ = 	snop;
	(pc) =	sbr.rel @p2 .LBB2_24-.Ltmp8, $4  }
0xaf: {  	_ = 	snop  }
0xb0: {  	_ =	swait.ge [sflag:s10], $0x1F00  }
0xb1: {  	[sflag:s10] =	ssyncset.done $0x0  }
0xb2: {  	s13 =	sadd.s32 $0x1, s13;
	[sflag:s10] =	ssyncadd.s32 $0xFFFFE100  }
0xb3: {  	s14 =	simm.s32 $0x1  }
0xb4: {  	s15 =	smul.u32 $0x3E0, s13;
	s14 =	simm.s32 @!p0 $0x0  }
0xb5: {  	s14 =	sshll.u32 s14, $0x7  }
0xb6: {  	s15 =	sadd.s32 s3, s15;
	s14 =	sor.u32 $0xF800, s14  }
0xb7: {  	s16 =	simm.s32 $0x10;
	s18 =	sadd.s32 $0x0, s15;
	s17 =	sadd.s32 $0x100, s14  }
.LBB2_22:
0xb8: {  	[tilespmem:s14], [sflag:$0x1] =	stream.linear.gather [hbm4b:s18+s2], $0x80, $0x38;
	[tilespmem:$0x13600] =	vst v63  }
0xb9: {  	s18 =	smov.u32 s16;
	s14 =	smov.u32 s17;
	p2 =	sne.s32 s16, $0x3D0  }
.Ltmp9:
0xba: {  	s16 =	sadd.s32 $0x10, s16;
	(pc) =	sbr.rel @p2 .LBB2_22-.Ltmp9, $2  }
0xbb: {  	_ =	sdelay $0x2  }
0xbc: {  	s17 =	sadd.s32 $0x100, s17;
	s18 =	sadd.s32 s18, s15  }
0xbd: {  	[tilespmem:s14], [sflag:$0x1] =	stream.linear.gather [hbm4b:s18+s2], $0x80, $0x38;
	[tilespmem:$0x13600] =	vst v63  }
.LBB2_24:
0xbe: {  	s14 =	simm.s32 $0x1  }
0xbf: {  	s14 =	simm.s32 @!p1 $0x0  }
0xc0: {  	s14 =	sshll.u32 s14, $0x7  }
0xc1: {  	s14 =	sor.u32 $0xF900, s14  }
0xc2: {  	v12 =	vld [tilespmem:s14+$0xFFFFFF10]  }
0xc3: {  	v4 =	vld [tilespmem:s14+$0xFFFFFF40]  }
0xc4: {  	v3 =	vld [tilespmem:s14+$0xFFFFFF50]  }
0xc5: {  	v2 =	vld [tilespmem:s14+$0xFFFFFF60]  }
0xc6: {  	v14 =	vld [tilespmem:s14+$0xFFFFFF70]  }
0xc7: {  	v5 =	vld [tilespmem:s14+$0xFFFFFF00]  }
0xc8: {  	v6 =	vld [tilespmem:s14+$0x70]  }
0xc9: {  	v7 =	vld [tilespmem:s14+$0x60]  }
0xca: {  	v8 =	vld [tilespmem:s14+$0x50]  }
0xcb: {  	v1 =	vld [tilespmem:s14+$0xFFFFFF20]  }
0xcc: {  	v10 =	vld [tilespmem:s14+$0x40]  }
0xcd: {  	v11 =	vld [tilespmem:s14+$0x30];
	v9 =	vand.u32 $0xFFFF, v5  }
0xce: {  	v15 =	vld [tilespmem:s14+$0x20];
	v13 =	vand.u32 $0xFFFF, v6  }
0xcf: {  	v17 =	vld [tilespmem:s14+$0x10];
	v16 =	vand.u32 $0xFFFF, v7  }
0xd0: {  	v19 =	vld [tilespmem:s14+$0x0];
	v18 =	vand.u32 $0xFFFF, v8  }
0xd1: {  	v22 =	vld [tilespmem:s14+$0xFFFFFF30];
	v20 =	vand.u32 $0xFFFF, v10  }
0xd2: {  	v5 =	vshrl.u32 v5, $0x10;
	v9 =	vld.idx.msk [tilespmem:v9+s2+$0x0], $0xffff  }
0xd3: {  	v21 =	vand.u32 $0xFFFF, v15;
	v13 =	vld.idx.msk [tilespmem:v13+s2+$0x0], $0xffff  }
0xd4: {  	v6 =	vshrl.u32 v6, $0x10;
	v16 =	vld.idx.msk [tilespmem:v16+s2+$0x0], $0xffff  }
0xd5: {  	v7 =	vshrl.u32 v7, $0x10;
	v18 =	vld.idx.msk [tilespmem:v18+s2+$0x0], $0xffff  }
0xd6: {  	v23 =	vand.u32 $0xFFFF, v11;
	v20 =	vld.idx.msk [tilespmem:v20+s2+$0x0], $0xffff  }
0xd7: {  	v8 =	vshrl.u32 v8, $0x10;
	[tilespmem:v5+s11+$0x0] =	vst.idx.add.f32.msk $0xffff, v9  }
0xd8: {  	v5 =	vand.u32 $0xFFFF, v19;
	v9 =	vld.idx.msk [tilespmem:v21+s2+$0x0], $0xffff  }
0xd9: {  	v62 =	vand.u32 $0xFFFF, v14;
	[tilespmem:v6+s11+$0x0] =	vst.idx.add.f32.msk $0xffff, v13  }
0xda: {  	v10 =	vshrl.u32 v10, $0x10;
	[tilespmem:v7+s11+$0x0] =	vst.idx.add.f32.msk $0xffff, v16  }
0xdb: {  	v6 =	vand.u32 $0xFFFF, v17;
	v16 =	vld.idx.msk [tilespmem:v23+s2+$0x0], $0xffff  }
0xdc: {  	v63 =	vand.u32 $0xFFFF, v3;
	[tilespmem:v8+s11+$0x0] =	vst.idx.add.f32.msk $0xffff, v18  }
0xdd: {  	v7 =	vld.idx.msk [tilespmem:v5+s2+$0x0], $0xffff;
	v5 =	vshrl.u32 v15, $0x10;
	v15 =	vshrl.u32 v11, $0x10  }
0xde: {  	v8 =	vand.u32 $0xFFFF, v4;
	v13 =	vld.idx.msk [tilespmem:v62+s2+$0x0], $0xffff  }
0xdf: {  	[tilespmem:v10+s11+$0x0] =	vst.idx.add.f32.msk $0xffff, v20  }
0xe0: {  	v18 =	vand.u32 $0xFFFF, v2;
	v11 =	vld.idx.msk [tilespmem:v6+s2+$0x0], $0xffff  }
0xe1: {  	v20 =	vand.u32 $0xFFFF, v22;
	v6 =	vld.idx.msk [tilespmem:v63+s2+$0x0], $0xffff  }
0xe2: {  	[tilespmem:v15+s11+$0x0] =	vst.idx.add.f32.msk $0xffff, v16;
	v15 =	vshrl.u32 v14, $0x10  }
0xe3: {  	v8 =	vld.idx.msk [tilespmem:v8+s2+$0x0], $0xffff;
	v16 =	vshrl.u32 v19, $0x10  }
0xe4: {  	v3 =	vshrl.u32 v3, $0x10;
	v17 =	vshrl.u32 v17, $0x10;
	[tilespmem:v5+s11+$0x0] =	vst.idx.add.f32.msk $0xffff, v9  }
0xe5: {  	v2 =	vshrl.u32 v2, $0x10;
	v4 =	vshrl.u32 v4, $0x10;
	v9 =	vand.u32 $0xFFFF, v1;
	v14 =	vld.idx.msk [tilespmem:v18+s2+$0x0], $0xffff  }
0xe6: {  	s15 =	simm.s32 $0x0;
	v10 =	vand.u32 $0xFFFF, v12;
	v12 =	vshrl.u32 v12, $0x10;
	v5 =	vshrl.u32 v22, $0x10;
	v18 =	vld.idx.msk [tilespmem:v20+s2+$0x0], $0xffff  }
.LBB2_25:
0xe7: {  	s15 =	sadd.s32 $0x10, s15;
	[tilespmem:v15+s11+$0x0] =	vst.idx.add.f32.msk $0xffff, v13;
	s14 =	sadd.s32 $0x200, s14  }
0xe8: {  	p2 =	slt.u32 s15, $0x1E0;
	[tilespmem:v16+s11+$0x0] =	vst.idx.add.f32.msk $0xffff, v7  }
0xe9: {  	[tilespmem:v17+s11+$0x0] =	vst.idx.add.f32.msk $0xffff, v11  }
0xea: {  	v7 =	vld.idx.msk [tilespmem:v9+s2+$0x0], $0xffff  }
0xeb: {  	v1 =	vshrl.u32 v1, $0x10;
	v9 =	vld.idx.msk [tilespmem:v10+s2+$0x0], $0xffff  }
0xec: {  	[tilespmem:v5+s11+$0x0] =	vst.idx.add.f32.msk $0xffff, v18  }
0xed: {  	[tilespmem:v2+s11+$0x0] =	vst.idx.add.f32.msk $0xffff, v14  }
0xee: {  	[tilespmem:v3+s11+$0x0] =	vst.idx.add.f32.msk $0xffff, v6  }
0xef: {  	[tilespmem:v4+s11+$0x0] =	vst.idx.add.f32.msk $0xffff, v8  }
0xf0: {  	[tilespmem:v1+s11+$0x0] =	vst.idx.add.f32.msk $0xffff, v7  }
0xf1: {  	[tilespmem:v12+s11+$0x0] =	vst.idx.add.f32.msk $0xffff, v9  }
0xf2: {  	v8 =	vld [tilespmem:s14+$0xFFFFFF10]  }
0xf3: {  	v5 =	vld [tilespmem:s14+$0xFFFFFF40]  }
0xf4: {  	v4 =	vld [tilespmem:s14+$0xFFFFFF50]  }
0xf5: {  	v3 =	vld [tilespmem:s14+$0xFFFFFF60]  }
0xf6: {  	v6 =	vld [tilespmem:s14+$0xFFFFFF70]  }
0xf7: {  	v2 =	vld [tilespmem:s14+$0xFFFFFF00]  }
0xf8: {  	v7 =	vld [tilespmem:s14+$0x70]  }
0xf9: {  	v9 =	vld [tilespmem:s14+$0x60]  }
0xfa: {  	v10 =	vld [tilespmem:s14+$0x50]  }
0xfb: {  	v1 =	vld [tilespmem:s14+$0xFFFFFF20]  }
0xfc: {  	v11 =	vand.u32 $0xFFFF, v2;
	v12 =	vld [tilespmem:s14+$0x40]  }
0xfd: {  	v13 =	vld [tilespmem:s14+$0x30];
	v14 =	vand.u32 $0xFFFF, v7  }
0xfe: {  	v15 =	vld [tilespmem:s14+$0x20];
	v16 =	vand.u32 $0xFFFF, v9  }
0xff: {  	v17 =	vld [tilespmem:s14+$0x10];
	v18 =	vand.u32 $0xFFFF, v10  }
0x100: {  	v19 =	vld [tilespmem:s14+$0x0]  }
0x101: {  	v11 =	vld.idx.msk [tilespmem:v11+s2+$0x0], $0xffff;
	v20 =	vand.u32 $0xFFFF, v12  }
0x102: {  	v2 =	vshrl.u32 v2, $0x10;
	v14 =	vld.idx.msk [tilespmem:v14+s2+$0x0], $0xffff  }
0x103: {  	v7 =	vshrl.u32 v7, $0x10;
	v21 =	vand.u32 $0xFFFF, v15;
	v16 =	vld.idx.msk [tilespmem:v16+s2+$0x0], $0xffff  }
0x104: {  	v9 =	vshrl.u32 v9, $0x10;
	v23 =	vand.u32 $0xFFFF, v13;
	v22 =	vand.u32 $0xFFFF, v17;
	v18 =	vld.idx.msk [tilespmem:v18+s2+$0x0], $0xffff  }
0x105: {  	v26 =	vshrl.u32 v10, $0x10;
	v24 =	vld [tilespmem:s14+$0xFFFFFF30];
	v25 =	vand.u32 $0xFFFF, v19  }
0x106: {  	v27 =	vand.u32 $0xFFFF, v6;
	v20 =	vld.idx.msk [tilespmem:v20+s2+$0x0], $0xffff  }
0x107: {  	v28 =	vand.u32 $0xFFFF, v3;
	[tilespmem:v2+s11+$0x0] =	vst.idx.add.f32.msk $0xffff, v11;
	v2 =	vshrl.u32 v3, $0x10  }
0x108: {  	v29 =	vand.u32 $0xFFFF, v4;
	v12 =	vshrl.u32 v12, $0x10;
	v3 =	vshrl.u32 v4, $0x10;
	v21 =	vld.idx.msk [tilespmem:v21+s2+$0x0], $0xffff  }
0x109: {  	v30 =	vand.u32 $0xFFFF, v5;
	v4 =	vshrl.u32 v5, $0x10;
	[tilespmem:v7+s11+$0x0] =	vst.idx.add.f32.msk $0xffff, v14  }
0x10a: {  	v14 =	vshrl.u32 v15, $0x10;
	v5 =	vshrl.u32 v24, $0x10;
	v24 =	vand.u32 $0xFFFF, v24;
	[tilespmem:v9+s11+$0x0] =	vst.idx.add.f32.msk $0xffff, v16  }
0x10b: {  	v9 =	vand.u32 $0xFFFF, v1;
	v23 =	vld.idx.msk [tilespmem:v23+s2+$0x0], $0xffff  }
0x10c: {  	v10 =	vand.u32 $0xFFFF, v8;
	v31 =	vshrl.u32 v13, $0x10;
	[tilespmem:v26+s11+$0x0] =	vst.idx.add.f32.msk $0xffff, v18  }
0x10d: {  	v7 =	vld.idx.msk [tilespmem:v25+s2+$0x0], $0xffff  }
0x10e: {  	v13 =	vld.idx.msk [tilespmem:v27+s2+$0x0], $0xffff  }
0x10f: {  	v15 =	vshrl.u32 v6, $0x10;
	v11 =	vld.idx.msk [tilespmem:v22+s2+$0x0], $0xffff  }
0x110: {  	v16 =	vshrl.u32 v19, $0x10;
	[tilespmem:v12+s11+$0x0] =	vst.idx.add.f32.msk $0xffff, v20  }
0x111: {  	v17 =	vshrl.u32 v17, $0x10;
	v6 =	vld.idx.msk [tilespmem:v29+s2+$0x0], $0xffff  }
.Ltmp10:
0x112: {  	v12 =	vshrl.u32 v8, $0x10;
	v8 =	vld.idx.msk [tilespmem:v30+s2+$0x0], $0xffff;
	(pc) =	sbr.rel @p2 .LBB2_25-.Ltmp10, $4  }
0x113: {  	[tilespmem:v14+s11+$0x0] =	vst.idx.add.f32.msk $0xffff, v21  }
0x114: {  	[tilespmem:v31+s11+$0x0] =	vst.idx.add.f32.msk $0xffff, v23  }
0x115: {  	v14 =	vld.idx.msk [tilespmem:v28+s2+$0x0], $0xffff  }
0x116: {  	v18 =	vld.idx.msk [tilespmem:v24+s2+$0x0], $0xffff  }
0x117: {  	_ =	sdelay $0x3  }
0x118: {  	[tilespmem:v15+s11+$0x0] =	vst.idx.add.f32.msk $0xffff, v13  }
0x119: {  	[tilespmem:v16+s11+$0x0] =	vst.idx.add.f32.msk $0xffff, v7  }
0x11a: {  	[tilespmem:v17+s11+$0x0] =	vst.idx.add.f32.msk $0xffff, v11  }
0x11b: {  	v62 =	vld.idx.msk [tilespmem:v9+s2+$0x0], $0xffff  }
0x11c: {  	v63 =	vld.idx.msk [tilespmem:v10+s2+$0x0], $0xffff;
	v1 =	vshrl.u32 v1, $0x10  }
0x11d: {  	[tilespmem:v3+s11+$0x0] =	vst.idx.add.f32.msk $0xffff, v6  }
0x11e: {  	[tilespmem:v4+s11+$0x0] =	vst.idx.add.f32.msk $0xffff, v8  }
0x11f: {  	[tilespmem:v2+s11+$0x0] =	vst.idx.add.f32.msk $0xffff, v14  }
0x120: {  	[tilespmem:v5+s11+$0x0] =	vst.idx.add.f32.msk $0xffff, v18  }
0x121: {  	[tilespmem:v1+s11+$0x0] =	vst.idx.add.f32.msk $0xffff, v62  }
0x122: {  	[tilespmem:v12+s11+$0x0] =	vst.idx.add.f32.msk $0xffff, v63  }
0x123: {  	p2 =	seq.s32 s13, $0x80  }
.Ltmp11:
0x124: {  	_ = 	snop;
	(pc) =	sbr.rel @!p2 .LBB2_20-.Ltmp11, $2  }
0x125: {  	_ =	sdelay $0x2  }
0x126: {  	p0 =	por !p0, !p0;
	p1 =	por !p1, !p1  }
0x127: {  	s12 =	sadd.s32 $0x1, s12  }
0x128: {  	p0 =	sne.s32 s12, s8  }
.Ltmp12:
0x129: {  	_ = 	snop;
	(pc) =	sbr.rel @p0 .LBB2_1-.Ltmp12, $4  }
0x12a: {  	[hbm4b:s7+s2] =	stream.linear.scatter [tilespmem:s11], [sflag:$0x2], $0x7C00, $0x38;
	[tilespmem:$0x13600] =	vst v63  }
0x12b: {  	_ =	swait.ge [sflag:s9], $0x7C00  }
0x12c: {  	[sflag:s9] =	ssyncset.done $0x0  }
0x12d: {  	[sflag:s9] =	ssyncadd.s32 $0xFFFF8400  }
0x12e: {  	_ =	sfence.sel $0x180000  }
0x12f: {  	[bflag:$0x0] =	sbarrier.arrive $0xFFFF  }
0x130: {  	p0 =	sne.s32 s1, $0x0;
	_ =	strace $0x9000004D  }
0x131: {  	s0 =	sadd.s32 @!p0 $0x100000, s0;
	[bflag:$0x2] =	sbarrier.arrive $0xFFFF  }
0x132: {  	[sflag:s0] =	ssyncadd.tile.s32 @!p0 $0x1;
	_ =	shalt  }
.Lfunc_end2:
_tile_overlayer_lowered:
.L_overlay_start_2:
0x133: {  	(tag) =	ssettag $0x2  }
0x134: {  	s0 =	rddreg [dreg:$0x0];
	s2 =	stileid.u32  }
0x135: {  	s1 =	rddreg [dreg:$0x1];
	p0 =	sne.s32 s2, $0x0  }
0x136: {  	s3 =	rddreg [dreg:$0x2];
	[bflag:$0x3] =	sbarrier.arrive $0xFFFF;
	s2 =	simm.s32 @!p0 $0x1C02  }
0x137: {  	[timem:s3], [sflag:s2] =	dma.local @!p0 [hbm:s0], s1  }
0x138: {  	s0 =	simm.s32 @!p0 $0x2  }
0x139: {  	_ =	swait.ge @!p0 [sflag:s0], s1  }
0x13a: {  	s1 =	ssub.s32 @!p0 $0x0, s1;
	[sflag:s0] =	ssyncset.done @!p0 $0x0  }
0x13b: {  	[sflag:s0] =	ssyncadd.s32 @!p0 s1  }
0x13c: {  	[bflag:$0x3] =	sbarrier.arrive $0xFFFF  }
0x13d: {  	_ =	shalt  }

</sc_bundles>
